<compile_context>
chip_gen: v7x
topology: tpu7x:2x2x1
jax: 0.10.2.dev20260603
libtpu: 0.0.44.dev20260713+nightly
codegen_flags: <defaults>
</compile_context>

<pallas_src>
import functools

import jax
import jax.numpy as jnp
from jax import lax
from jax.experimental import pallas as pl
from jax.experimental.pallas import tpu as pltpu
from jax.experimental.pallas import tpu_sc as plsc

_N = 27554
_K = 9
_NC = 2
_NS = 16
_NW = _NC * _NS
_VPW = 864
_NPAD = _NW * _VPW
_G = _VPW // 16
_FLAT = 3 * _NPAD
_CH = _FLAT // _NS


def _sc_body(v1_hbm, v2_hbm, idx_hbm, w_hbm, lw_hbm, out_hbm,
             dv_v, vc1, vc2, idx_v, w_v, lw_v, tot_v, dv_sh):
    cid = lax.axis_index("c")
    sid = lax.axis_index("s")
    wid = sid * _NC + cid
    base = wid * _VPW
    lane = lax.iota(jnp.int32, 16)

    ch0 = sid * _CH
    pltpu.sync_copy(v1_hbm.at[pl.ds(ch0, _CH)], vc1)
    pltpu.sync_copy(v2_hbm.at[pl.ds(ch0, _CH)], vc2)

    def stage(i, carry):
        j = i * 16
        vc1[pl.ds(j, 16)] = vc1[pl.ds(j, 16)] - vc2[pl.ds(j, 16)]
        return carry

    lax.fori_loop(0, _CH // 16, stage, 0)
    pltpu.sync_copy(vc1, dv_sh.at[pl.ds(ch0, _CH)])
    plsc.subcore_barrier()
    pltpu.sync_copy(dv_sh, dv_v)

    for k in range(_K):
        pltpu.sync_copy(idx_hbm.at[pl.ds(k * _NPAD + base, _VPW)],
                        idx_v.at[pl.ds(k * _VPW, _VPW)])
    pltpu.sync_copy(w_hbm.at[pl.ds(base, _VPW)], w_v)
    pltpu.sync_copy(lw_hbm.at[pl.ds(base, _VPW)], lw_v)

    def body(g, tot):
        s0 = g * 16
        gv = base + s0 + lane
        accx = jnp.zeros((16,), jnp.float32)
        accy = jnp.zeros((16,), jnp.float32)
        accz = jnp.zeros((16,), jnp.float32)
        for k in range(_K):
            iv = idx_v[pl.ds(k * _VPW + s0, 16)]
            accx = accx + plsc.load_gather(dv_v, [iv])
            accy = accy + plsc.load_gather(dv_v, [iv + _NPAD])
            accz = accz + plsc.load_gather(dv_v, [iv + 2 * _NPAD])
        ox = plsc.load_gather(dv_v, [gv])
        oy = plsc.load_gather(dv_v, [gv + _NPAD])
        oz = plsc.load_gather(dv_v, [gv + 2 * _NPAD])
        rcp = 1.0 / w_v[pl.ds(s0, 16)]
        tx = ox - accx * rcp
        ty = oy - accy * rcp
        tz = oz - accz * rcp
        return tot + lw_v[pl.ds(s0, 16)] * (tx * tx + ty * ty + tz * tz)

    tot = lax.fori_loop(0, _G, body, jnp.zeros((16,), jnp.float32))
    tot_v[...] = tot
    pltpu.sync_copy(tot_v, out_hbm.at[wid])


_sc_loss = functools.partial(
    pl.kernel,
    out_type=jax.ShapeDtypeStruct((_NW, 16), jnp.float32),
    mesh=plsc.VectorSubcoreMesh(core_axis_name="c", subcore_axis_name="s"),
    scratch_types=[
        pltpu.VMEM((_FLAT,), jnp.float32),
        pltpu.VMEM((_CH,), jnp.float32),
        pltpu.VMEM((_CH,), jnp.float32),
        pltpu.VMEM((_VPW * _K,), jnp.int32),
        pltpu.VMEM((_VPW,), jnp.float32),
        pltpu.VMEM((_VPW,), jnp.float32),
        pltpu.VMEM((16,), jnp.float32),
        pltpu.VMEM_SHARED((_FLAT,), jnp.float32),
    ],
    compiler_params=pltpu.CompilerParams(needs_layout_passes=False,
                                         use_tc_tiling_on_sc=False),
)(_sc_body)


def kernel(v_1, v_2, adj_indices, adj_weights, laplace_w):
    pad = _NPAD - _N
    v1p = jnp.pad(v_1.T, ((0, 0), (0, pad))).reshape(-1)
    v2p = jnp.pad(v_2.T, ((0, 0), (0, pad))).reshape(-1)
    idxp = jnp.pad(adj_indices[:, :_K].astype(jnp.int32).T,
                   ((0, 0), (0, pad))).reshape(-1)
    wp = jnp.pad(adj_weights.reshape(-1), (0, pad), constant_values=1.0)
    lwp = jnp.pad(laplace_w.reshape(-1), (0, pad))
    partials = _sc_loss(v1p, v2p, idxp, wp, lwp)
    return jnp.sum(partials) / (_N * 3)

# --- scband reference (transcript-rebuilt; emitter-appended) ---
"""Pipeline reference for scband-laplacian-loss-25434796327108 (READ-ONLY COPY).

The authoritative reference and input builder live on the scoring server;
editing this copy changes nothing except your own understanding.
"""

import jax, jax.numpy as jnp
import numpy as np

N = 27554  # upsampled SMPL vertex count
K = 9      # neighbors per vertex (adjacency_set[:, :9])


def setup_inputs(seed: int = 0) -> dict:
    key = jax.random.key(seed)
    k1, k2, k3, k4, k5 = jax.random.split(key, 5)
    v_1 = jax.random.normal(k1, (N, 3), dtype=jnp.float32)
    v_2 = jax.random.normal(k2, (N, 3), dtype=jnp.float32)
    # adjacency indices in [0, N]; index N points at the appended zero-pad vertex
    adj_indices = jax.random.randint(k3, (N, K), 0, N + 1, dtype=jnp.int64)
    # degree-like weights, strictly positive (module takes reciprocal)
    adj_weights = jax.random.uniform(k4, (N, 1), dtype=jnp.float32, minval=1.0, maxval=9.0)
    # per-vertex laplace regularization weights (regularize_laplace output), positive
    laplace_w = jax.random.uniform(k5, (N, 1), dtype=jnp.float32, minval=1.0, maxval=1600.0)
    return {"v_1": v_1, "v_2": v_2, "adj_indices": adj_indices,
            "adj_weights": adj_weights, "laplace_w": laplace_w}


def _laplace_coord(v, adj_indices, adj_weights):
    # vertex = cat([v, zeros(1,3)])  -> padding row at index N
    vertex = jnp.concatenate([v, jnp.zeros((1, 3), dtype=v.dtype)], axis=0)
    idx = adj_indices[:, :K].reshape(-1)
    w = jnp.reciprocal(adj_weights).reshape(-1, 1)  # [N,1], broadcast over 3 dims
    verts = jnp.take(vertex, idx, axis=0).reshape(v.shape[0], -1, 3)  # gather [N,K,3]
    laplace = jnp.sum(verts, axis=1)  # [N,3]
    return v - laplace * w


def reference(v_1, v_2, adj_indices, adj_weights, laplace_w):
    lap1 = _laplace_coord(v_1, adj_indices, adj_weights)
    lap2 = _laplace_coord(v_2, adj_indices, adj_weights)
    laplace_loss = jnp.square(lap1 - lap2)
    return jnp.mean(laplace_loss * laplace_w)

if __name__ == "__main__":
    import jax
    _d = setup_inputs()
    print(jax.jit(kernel)(*tuple(_d.values())))

</pallas_src>

<mosaic_0001>
#map = affine_map<(d0, d1) -> (0)>
#map1 = affine_map<(d0, d1) -> (0, 0)>
module attributes {stable_mosaic.version = 14 : i64} {
  func.func @_sc_body(%arg0: i32, %arg1: i32, %arg2: memref<82944xf32, #tpu.memory_space<hbm>>, %arg3: memref<82944xf32, #tpu.memory_space<hbm>>, %arg4: memref<248832xi32, #tpu.memory_space<hbm>>, %arg5: memref<27648xf32, #tpu.memory_space<hbm>>, %arg6: memref<27648xf32, #tpu.memory_space<hbm>>, %arg7: memref<32x16xf32, #tpu.memory_space<hbm>>, %arg8: memref<82944xf32, #tpu.memory_space<vmem>>, %arg9: memref<5184xf32, #tpu.memory_space<vmem>>, %arg10: memref<5184xf32, #tpu.memory_space<vmem>>, %arg11: memref<7776xi32, #tpu.memory_space<vmem>>, %arg12: memref<864xf32, #tpu.memory_space<vmem>>, %arg13: memref<864xf32, #tpu.memory_space<vmem>>, %arg14: memref<16xf32, #tpu.memory_space<vmem>>, %arg15: memref<82944xf32, #tpu.memory_space<vmem_shared>>) attributes {dimension_semantics = [#tpu.dimension_semantics<core_parallel>, #tpu.dimension_semantics<subcore_parallel>], iteration_bounds = array<i64: 2, 16>, scalar_prefetch = 0 : i64, scratch_operands = 8 : i64, tpu.core_type = #tpu.core_type<sc_vector_subcore>, window_params = [{transform_indices = #map}, {transform_indices = #map}, {transform_indices = #map}, {transform_indices = #map}, {transform_indices = #map}, {transform_indices = #map1}]} {
    %mul3A = arith.constant 2 : i32
    %mul3A_0 = arith.muli %arg1, %mul3A : i32
    %add3A = arith.addi %mul3A_0, %arg0 : i32
    %mul3A_1 = arith.constant 864 : i32
    %mul3A_2 = arith.muli %add3A, %mul3A_1 : i32
    %iota3A = tpu.iota {dimensions = array<i32: 0>} : vector<16xi32>
    %mul3A_3 = arith.constant 5184 : i32
    %mul3A_4 = arith.muli %arg1, %mul3A_3 : i32
    "tpu.region"() ({
      %run_scoped3A = tpu.sem_alloc : memref<!tpu.dma_semaphore, #tpu.memory_space<semaphore_mem>>
      %dma_start3A = tpu.memref_slice %arg2[%mul3A_4] : memref<82944xf32, #tpu.memory_space<hbm>> -> memref<5184xf32, #tpu.memory_space<hbm>>
      %dma_start3A_36 = tpu.memref_slice %arg2[%mul3A_4] : memref<82944xf32, #tpu.memory_space<hbm>> -> memref<5184xf32, #tpu.memory_space<hbm>>
      tpu.enqueue_dma source(%dma_start3A_36 : memref<5184xf32, #tpu.memory_space<hbm>>) target(%arg9 : memref<5184xf32, #tpu.memory_space<vmem>>) target_semaphore(%run_scoped3A : memref<!tpu.dma_semaphore, #tpu.memory_space<semaphore_mem>>)
      %dma_wait3A = tpu.memref_slice %arg2[%mul3A_4] : memref<82944xf32, #tpu.memory_space<hbm>> -> memref<5184xf32, #tpu.memory_space<hbm>>
      %dma_wait3A_37 = tpu.memref_slice %arg2[%mul3A_4] : memref<82944xf32, #tpu.memory_space<hbm>> -> memref<5184xf32, #tpu.memory_space<hbm>>
      tpu.wait_dma2 semaphore(%run_scoped3A : memref<!tpu.dma_semaphore, #tpu.memory_space<semaphore_mem>>) src(%dma_wait3A_37 : memref<5184xf32, #tpu.memory_space<hbm>>) dst(%arg9 : memref<5184xf32, #tpu.memory_space<vmem>>)
      tpu.yield
    }) : () -> ()
    "tpu.region"() ({
      %run_scoped3A = tpu.sem_alloc : memref<!tpu.dma_semaphore, #tpu.memory_space<semaphore_mem>>
      %dma_start3A = tpu.memref_slice %arg3[%mul3A_4] : memref<82944xf32, #tpu.memory_space<hbm>> -> memref<5184xf32, #tpu.memory_space<hbm>>
      %dma_start3A_36 = tpu.memref_slice %arg3[%mul3A_4] : memref<82944xf32, #tpu.memory_space<hbm>> -> memref<5184xf32, #tpu.memory_space<hbm>>
      tpu.enqueue_dma source(%dma_start3A_36 : memref<5184xf32, #tpu.memory_space<hbm>>) target(%arg10 : memref<5184xf32, #tpu.memory_space<vmem>>) target_semaphore(%run_scoped3A : memref<!tpu.dma_semaphore, #tpu.memory_space<semaphore_mem>>)
      %dma_wait3A = tpu.memref_slice %arg3[%mul3A_4] : memref<82944xf32, #tpu.memory_space<hbm>> -> memref<5184xf32, #tpu.memory_space<hbm>>
      %dma_wait3A_37 = tpu.memref_slice %arg3[%mul3A_4] : memref<82944xf32, #tpu.memory_space<hbm>> -> memref<5184xf32, #tpu.memory_space<hbm>>
      tpu.wait_dma2 semaphore(%run_scoped3A : memref<!tpu.dma_semaphore, #tpu.memory_space<semaphore_mem>>) src(%dma_wait3A_37 : memref<5184xf32, #tpu.memory_space<hbm>>) dst(%arg10 : memref<5184xf32, #tpu.memory_space<vmem>>)
      tpu.yield
    }) : () -> ()
    %scan3A = arith.constant 0 : i32
    %scan3A_5 = arith.constant 0 : i32
    %scan3A_6 = arith.constant 324 : i32
    %scan3A_7 = arith.addi %scan3A_5, %scan3A_6 : i32
    %scan3A_8 = arith.constant 1 : i32
    scf.for %scan3A_36 = %scan3A_5 to %scan3A_7 step %scan3A_8  : i32 {
      %mul3A_37 = arith.constant 16 : i32
      %mul3A_38 = arith.muli %scan3A_36, %mul3A_37 : i32
      %get3A = arith.index_cast %mul3A_38 : i32 to index
      %get3A_39 = tpu.vector_load %arg9[%get3A] {strides = array<i32>} : memref<5184xf32, #tpu.memory_space<vmem>>, vector<16xf32>,
      %get3A_40 = arith.index_cast %mul3A_38 : i32 to index
      %get3A_41 = tpu.vector_load %arg10[%get3A_40] {strides = array<i32>} : memref<5184xf32, #tpu.memory_space<vmem>>, vector<16xf32>,
      %sub3A = arith.subf %get3A_39, %get3A_41 : vector<16xf32>
      %swap3A_42 = arith.index_cast %mul3A_38 : i32 to index
      %swap3A_43 = tpu.vector_load %arg9[%swap3A_42] {strides = array<i32>} : memref<5184xf32, #tpu.memory_space<vmem>>, vector<16xf32>,
      tpu.vector_store %arg9[%swap3A_42], %sub3A {strides = array<i32>} : memref<5184xf32, #tpu.memory_space<vmem>>, vector<16xf32>,
    }
    %scan3A_9 = arith.constant 324 : i32
    "tpu.region"() ({
      %run_scoped3A = tpu.sem_alloc : memref<!tpu.dma_semaphore, #tpu.memory_space<semaphore_mem>>
      %dma_start3A = tpu.memref_slice %arg15[%mul3A_4] : memref<82944xf32, #tpu.memory_space<vmem_shared>> -> memref<5184xf32, #tpu.memory_space<vmem_shared>>
      %dma_start3A_36 = tpu.memref_slice %arg15[%mul3A_4] : memref<82944xf32, #tpu.memory_space<vmem_shared>> -> memref<5184xf32, #tpu.memory_space<vmem_shared>>
      tpu.enqueue_dma source(%arg9 : memref<5184xf32, #tpu.memory_space<vmem>>) target(%dma_start3A_36 : memref<5184xf32, #tpu.memory_space<vmem_shared>>) target_semaphore(%run_scoped3A : memref<!tpu.dma_semaphore, #tpu.memory_space<semaphore_mem>>)
      %dma_wait3A = tpu.memref_slice %arg15[%mul3A_4] : memref<82944xf32, #tpu.memory_space<vmem_shared>> -> memref<5184xf32, #tpu.memory_space<vmem_shared>>
      %dma_wait3A_37 = tpu.memref_slice %arg15[%mul3A_4] : memref<82944xf32, #tpu.memory_space<vmem_shared>> -> memref<5184xf32, #tpu.memory_space<vmem_shared>>
      tpu.wait_dma2 semaphore(%run_scoped3A : memref<!tpu.dma_semaphore, #tpu.memory_space<semaphore_mem>>) src(%arg9 : memref<5184xf32, #tpu.memory_space<vmem>>) dst(%dma_wait3A_37 : memref<5184xf32, #tpu.memory_space<vmem_shared>>)
      tpu.yield
    }) : () -> ()
    %barrier3A = arith.constant 0 : index
    tpu.barrier barrier_id(%barrier3A)
    "tpu.region"() ({
      %run_scoped3A = tpu.sem_alloc : memref<!tpu.dma_semaphore, #tpu.memory_space<semaphore_mem>>
      tpu.enqueue_dma source(%arg15 : memref<82944xf32, #tpu.memory_space<vmem_shared>>) target(%arg8 : memref<82944xf32, #tpu.memory_space<vmem>>) target_semaphore(%run_scoped3A : memref<!tpu.dma_semaphore, #tpu.memory_space<semaphore_mem>>)
      tpu.wait_dma2 semaphore(%run_scoped3A : memref<!tpu.dma_semaphore, #tpu.memory_space<semaphore_mem>>) src(%arg15 : memref<82944xf32, #tpu.memory_space<vmem_shared>>) dst(%arg8 : memref<82944xf32, #tpu.memory_space<vmem>>)
      tpu.yield
    }) : () -> ()
    %add3A_10 = arith.constant 0 : i32
    %add3A_11 = arith.addi %add3A_10, %mul3A_2 : i32
    "tpu.region"() ({
      %run_scoped3A = tpu.sem_alloc : memref<!tpu.dma_semaphore, #tpu.memory_space<semaphore_mem>>
      %dma_start3A = arith.constant 0 : i32
      %dma_start3A_36 = tpu.memref_slice %arg11[%dma_start3A] : memref<7776xi32, #tpu.memory_space<vmem>> -> memref<864xi32, #tpu.memory_space<vmem>>
      %dma_start3A_37 = tpu.memref_slice %arg4[%add3A_11] : memref<248832xi32, #tpu.memory_space<hbm>> -> memref<864xi32, #tpu.memory_space<hbm>>
      %dma_start3A_38 = arith.constant 0 : i32
      %dma_start3A_39 = tpu.memref_slice %arg11[%dma_start3A_38] : memref<7776xi32, #tpu.memory_space<vmem>> -> memref<864xi32, #tpu.memory_space<vmem>>
      %dma_start3A_40 = tpu.memref_slice %arg4[%add3A_11] : memref<248832xi32, #tpu.memory_space<hbm>> -> memref<864xi32, #tpu.memory_space<hbm>>
      tpu.enqueue_dma source(%dma_start3A_40 : memref<864xi32, #tpu.memory_space<hbm>>) target(%dma_start3A_39 : memref<864xi32, #tpu.memory_space<vmem>>) target_semaphore(%run_scoped3A : memref<!tpu.dma_semaphore, #tpu.memory_space<semaphore_mem>>)
      %dma_wait3A = arith.constant 0 : i32
      %dma_wait3A_41 = tpu.memref_slice %arg11[%dma_wait3A] : memref<7776xi32, #tpu.memory_space<vmem>> -> memref<864xi32, #tpu.memory_space<vmem>>
      %dma_wait3A_42 = tpu.memref_slice %arg4[%add3A_11] : memref<248832xi32, #tpu.memory_space<hbm>> -> memref<864xi32, #tpu.memory_space<hbm>>
      %dma_wait3A_43 = arith.constant 0 : i32
      %dma_wait3A_44 = tpu.memref_slice %arg11[%dma_wait3A_43] : memref<7776xi32, #tpu.memory_space<vmem>> -> memref<864xi32, #tpu.memory_space<vmem>>
      %dma_wait3A_45 = tpu.memref_slice %arg4[%add3A_11] : memref<248832xi32, #tpu.memory_space<hbm>> -> memref<864xi32, #tpu.memory_space<hbm>>
      tpu.wait_dma2 semaphore(%run_scoped3A : memref<!tpu.dma_semaphore, #tpu.memory_space<semaphore_mem>>) src(%dma_wait3A_45 : memref<864xi32, #tpu.memory_space<hbm>>) dst(%dma_wait3A_44 : memref<864xi32, #tpu.memory_space<vmem>>)
      tpu.yield
    }) : () -> ()
    %add3A_12 = arith.constant 27648 : i32
    %add3A_13 = arith.addi %add3A_12, %mul3A_2 : i32
    "tpu.region"() ({
      %run_scoped3A = tpu.sem_alloc : memref<!tpu.dma_semaphore, #tpu.memory_space<semaphore_mem>>
      %dma_start3A = arith.constant 864 : i32
      %dma_start3A_36 = tpu.memref_slice %arg11[%dma_start3A] : memref<7776xi32, #tpu.memory_space<vmem>> -> memref<864xi32, #tpu.memory_space<vmem>>
      %dma_start3A_37 = tpu.memref_slice %arg4[%add3A_13] : memref<248832xi32, #tpu.memory_space<hbm>> -> memref<864xi32, #tpu.memory_space<hbm>>
      %dma_start3A_38 = arith.constant 864 : i32
      %dma_start3A_39 = tpu.memref_slice %arg11[%dma_start3A_38] : memref<7776xi32, #tpu.memory_space<vmem>> -> memref<864xi32, #tpu.memory_space<vmem>>
      %dma_start3A_40 = tpu.memref_slice %arg4[%add3A_13] : memref<248832xi32, #tpu.memory_space<hbm>> -> memref<864xi32, #tpu.memory_space<hbm>>
      tpu.enqueue_dma source(%dma_start3A_40 : memref<864xi32, #tpu.memory_space<hbm>>) target(%dma_start3A_39 : memref<864xi32, #tpu.memory_space<vmem>>) target_semaphore(%run_scoped3A : memref<!tpu.dma_semaphore, #tpu.memory_space<semaphore_mem>>)
      %dma_wait3A = arith.constant 864 : i32
      %dma_wait3A_41 = tpu.memref_slice %arg11[%dma_wait3A] : memref<7776xi32, #tpu.memory_space<vmem>> -> memref<864xi32, #tpu.memory_space<vmem>>
      %dma_wait3A_42 = tpu.memref_slice %arg4[%add3A_13] : memref<248832xi32, #tpu.memory_space<hbm>> -> memref<864xi32, #tpu.memory_space<hbm>>
      %dma_wait3A_43 = arith.constant 864 : i32
      %dma_wait3A_44 = tpu.memref_slice %arg11[%dma_wait3A_43] : memref<7776xi32, #tpu.memory_space<vmem>> -> memref<864xi32, #tpu.memory_space<vmem>>
      %dma_wait3A_45 = tpu.memref_slice %arg4[%add3A_13] : memref<248832xi32, #tpu.memory_space<hbm>> -> memref<864xi32, #tpu.memory_space<hbm>>
      tpu.wait_dma2 semaphore(%run_scoped3A : memref<!tpu.dma_semaphore, #tpu.memory_space<semaphore_mem>>) src(%dma_wait3A_45 : memref<864xi32, #tpu.memory_space<hbm>>) dst(%dma_wait3A_44 : memref<864xi32, #tpu.memory_space<vmem>>)
      tpu.yield
    }) : () -> ()
    %add3A_14 = arith.constant 55296 : i32
    %add3A_15 = arith.addi %add3A_14, %mul3A_2 : i32
    "tpu.region"() ({
      %run_scoped3A = tpu.sem_alloc : memref<!tpu.dma_semaphore, #tpu.memory_space<semaphore_mem>>
      %dma_start3A = arith.constant 1728 : i32
      %dma_start3A_36 = tpu.memref_slice %arg11[%dma_start3A] : memref<7776xi32, #tpu.memory_space<vmem>> -> memref<864xi32, #tpu.memory_space<vmem>>
      %dma_start3A_37 = tpu.memref_slice %arg4[%add3A_15] : memref<248832xi32, #tpu.memory_space<hbm>> -> memref<864xi32, #tpu.memory_space<hbm>>
      %dma_start3A_38 = arith.constant 1728 : i32
      %dma_start3A_39 = tpu.memref_slice %arg11[%dma_start3A_38] : memref<7776xi32, #tpu.memory_space<vmem>> -> memref<864xi32, #tpu.memory_space<vmem>>
      %dma_start3A_40 = tpu.memref_slice %arg4[%add3A_15] : memref<248832xi32, #tpu.memory_space<hbm>> -> memref<864xi32, #tpu.memory_space<hbm>>
      tpu.enqueue_dma source(%dma_start3A_40 : memref<864xi32, #tpu.memory_space<hbm>>) target(%dma_start3A_39 : memref<864xi32, #tpu.memory_space<vmem>>) target_semaphore(%run_scoped3A : memref<!tpu.dma_semaphore, #tpu.memory_space<semaphore_mem>>)
      %dma_wait3A = arith.constant 1728 : i32
      %dma_wait3A_41 = tpu.memref_slice %arg11[%dma_wait3A] : memref<7776xi32, #tpu.memory_space<vmem>> -> memref<864xi32, #tpu.memory_space<vmem>>
      %dma_wait3A_42 = tpu.memref_slice %arg4[%add3A_15] : memref<248832xi32, #tpu.memory_space<hbm>> -> memref<864xi32, #tpu.memory_space<hbm>>
      %dma_wait3A_43 = arith.constant 1728 : i32
      %dma_wait3A_44 = tpu.memref_slice %arg11[%dma_wait3A_43] : memref<7776xi32, #tpu.memory_space<vmem>> -> memref<864xi32, #tpu.memory_space<vmem>>
      %dma_wait3A_45 = tpu.memref_slice %arg4[%add3A_15] : memref<248832xi32, #tpu.memory_space<hbm>> -> memref<864xi32, #tpu.memory_space<hbm>>
      tpu.wait_dma2 semaphore(%run_scoped3A : memref<!tpu.dma_semaphore, #tpu.memory_space<semaphore_mem>>) src(%dma_wait3A_45 : memref<864xi32, #tpu.memory_space<hbm>>) dst(%dma_wait3A_44 : memref<864xi32, #tpu.memory_space<vmem>>)
      tpu.yield
    }) : () -> ()
    %add3A_16 = arith.constant 82944 : i32
    %add3A_17 = arith.addi %add3A_16, %mul3A_2 : i32
    "tpu.region"() ({
      %run_scoped3A = tpu.sem_alloc : memref<!tpu.dma_semaphore, #tpu.memory_space<semaphore_mem>>
      %dma_start3A = arith.constant 2592 : i32
      %dma_start3A_36 = tpu.memref_slice %arg11[%dma_start3A] : memref<7776xi32, #tpu.memory_space<vmem>> -> memref<864xi32, #tpu.memory_space<vmem>>
      %dma_start3A_37 = tpu.memref_slice %arg4[%add3A_17] : memref<248832xi32, #tpu.memory_space<hbm>> -> memref<864xi32, #tpu.memory_space<hbm>>
      %dma_start3A_38 = arith.constant 2592 : i32
      %dma_start3A_39 = tpu.memref_slice %arg11[%dma_start3A_38] : memref<7776xi32, #tpu.memory_space<vmem>> -> memref<864xi32, #tpu.memory_space<vmem>>
      %dma_start3A_40 = tpu.memref_slice %arg4[%add3A_17] : memref<248832xi32, #tpu.memory_space<hbm>> -> memref<864xi32, #tpu.memory_space<hbm>>
      tpu.enqueue_dma source(%dma_start3A_40 : memref<864xi32, #tpu.memory_space<hbm>>) target(%dma_start3A_39 : memref<864xi32, #tpu.memory_space<vmem>>) target_semaphore(%run_scoped3A : memref<!tpu.dma_semaphore, #tpu.memory_space<semaphore_mem>>)
      %dma_wait3A = arith.constant 2592 : i32
      %dma_wait3A_41 = tpu.memref_slice %arg11[%dma_wait3A] : memref<7776xi32, #tpu.memory_space<vmem>> -> memref<864xi32, #tpu.memory_space<vmem>>
      %dma_wait3A_42 = tpu.memref_slice %arg4[%add3A_17] : memref<248832xi32, #tpu.memory_space<hbm>> -> memref<864xi32, #tpu.memory_space<hbm>>
      %dma_wait3A_43 = arith.constant 2592 : i32
      %dma_wait3A_44 = tpu.memref_slice %arg11[%dma_wait3A_43] : memref<7776xi32, #tpu.memory_space<vmem>> -> memref<864xi32, #tpu.memory_space<vmem>>
      %dma_wait3A_45 = tpu.memref_slice %arg4[%add3A_17] : memref<248832xi32, #tpu.memory_space<hbm>> -> memref<864xi32, #tpu.memory_space<hbm>>
      tpu.wait_dma2 semaphore(%run_scoped3A : memref<!tpu.dma_semaphore, #tpu.memory_space<semaphore_mem>>) src(%dma_wait3A_45 : memref<864xi32, #tpu.memory_space<hbm>>) dst(%dma_wait3A_44 : memref<864xi32, #tpu.memory_space<vmem>>)
      tpu.yield
    }) : () -> ()
    %add3A_18 = arith.constant 110592 : i32
    %add3A_19 = arith.addi %add3A_18, %mul3A_2 : i32
    "tpu.region"() ({
      %run_scoped3A = tpu.sem_alloc : memref<!tpu.dma_semaphore, #tpu.memory_space<semaphore_mem>>
      %dma_start3A = arith.constant 3456 : i32
      %dma_start3A_36 = tpu.memref_slice %arg11[%dma_start3A] : memref<7776xi32, #tpu.memory_space<vmem>> -> memref<864xi32, #tpu.memory_space<vmem>>
      %dma_start3A_37 = tpu.memref_slice %arg4[%add3A_19] : memref<248832xi32, #tpu.memory_space<hbm>> -> memref<864xi32, #tpu.memory_space<hbm>>
      %dma_start3A_38 = arith.constant 3456 : i32
      %dma_start3A_39 = tpu.memref_slice %arg11[%dma_start3A_38] : memref<7776xi32, #tpu.memory_space<vmem>> -> memref<864xi32, #tpu.memory_space<vmem>>
      %dma_start3A_40 = tpu.memref_slice %arg4[%add3A_19] : memref<248832xi32, #tpu.memory_space<hbm>> -> memref<864xi32, #tpu.memory_space<hbm>>
      tpu.enqueue_dma source(%dma_start3A_40 : memref<864xi32, #tpu.memory_space<hbm>>) target(%dma_start3A_39 : memref<864xi32, #tpu.memory_space<vmem>>) target_semaphore(%run_scoped3A : memref<!tpu.dma_semaphore, #tpu.memory_space<semaphore_mem>>)
      %dma_wait3A = arith.constant 3456 : i32
      %dma_wait3A_41 = tpu.memref_slice %arg11[%dma_wait3A] : memref<7776xi32, #tpu.memory_space<vmem>> -> memref<864xi32, #tpu.memory_space<vmem>>
      %dma_wait3A_42 = tpu.memref_slice %arg4[%add3A_19] : memref<248832xi32, #tpu.memory_space<hbm>> -> memref<864xi32, #tpu.memory_space<hbm>>
      %dma_wait3A_43 = arith.constant 3456 : i32
      %dma_wait3A_44 = tpu.memref_slice %arg11[%dma_wait3A_43] : memref<7776xi32, #tpu.memory_space<vmem>> -> memref<864xi32, #tpu.memory_space<vmem>>
      %dma_wait3A_45 = tpu.memref_slice %arg4[%add3A_19] : memref<248832xi32, #tpu.memory_space<hbm>> -> memref<864xi32, #tpu.memory_space<hbm>>
      tpu.wait_dma2 semaphore(%run_scoped3A : memref<!tpu.dma_semaphore, #tpu.memory_space<semaphore_mem>>) src(%dma_wait3A_45 : memref<864xi32, #tpu.memory_space<hbm>>) dst(%dma_wait3A_44 : memref<864xi32, #tpu.memory_space<vmem>>)
      tpu.yield
    }) : () -> ()
    %add3A_20 = arith.constant 138240 : i32
    %add3A_21 = arith.addi %add3A_20, %mul3A_2 : i32
    "tpu.region"() ({
      %run_scoped3A = tpu.sem_alloc : memref<!tpu.dma_semaphore, #tpu.memory_space<semaphore_mem>>
      %dma_start3A = arith.constant 4320 : i32
      %dma_start3A_36 = tpu.memref_slice %arg11[%dma_start3A] : memref<7776xi32, #tpu.memory_space<vmem>> -> memref<864xi32, #tpu.memory_space<vmem>>
      %dma_start3A_37 = tpu.memref_slice %arg4[%add3A_21] : memref<248832xi32, #tpu.memory_space<hbm>> -> memref<864xi32, #tpu.memory_space<hbm>>
      %dma_start3A_38 = arith.constant 4320 : i32
      %dma_start3A_39 = tpu.memref_slice %arg11[%dma_start3A_38] : memref<7776xi32, #tpu.memory_space<vmem>> -> memref<864xi32, #tpu.memory_space<vmem>>
      %dma_start3A_40 = tpu.memref_slice %arg4[%add3A_21] : memref<248832xi32, #tpu.memory_space<hbm>> -> memref<864xi32, #tpu.memory_space<hbm>>
      tpu.enqueue_dma source(%dma_start3A_40 : memref<864xi32, #tpu.memory_space<hbm>>) target(%dma_start3A_39 : memref<864xi32, #tpu.memory_space<vmem>>) target_semaphore(%run_scoped3A : memref<!tpu.dma_semaphore, #tpu.memory_space<semaphore_mem>>)
      %dma_wait3A = arith.constant 4320 : i32
      %dma_wait3A_41 = tpu.memref_slice %arg11[%dma_wait3A] : memref<7776xi32, #tpu.memory_space<vmem>> -> memref<864xi32, #tpu.memory_space<vmem>>
      %dma_wait3A_42 = tpu.memref_slice %arg4[%add3A_21] : memref<248832xi32, #tpu.memory_space<hbm>> -> memref<864xi32, #tpu.memory_space<hbm>>
      %dma_wait3A_43 = arith.constant 4320 : i32
      %dma_wait3A_44 = tpu.memref_slice %arg11[%dma_wait3A_43] : memref<7776xi32, #tpu.memory_space<vmem>> -> memref<864xi32, #tpu.memory_space<vmem>>
      %dma_wait3A_45 = tpu.memref_slice %arg4[%add3A_21] : memref<248832xi32, #tpu.memory_space<hbm>> -> memref<864xi32, #tpu.memory_space<hbm>>
      tpu.wait_dma2 semaphore(%run_scoped3A : memref<!tpu.dma_semaphore, #tpu.memory_space<semaphore_mem>>) src(%dma_wait3A_45 : memref<864xi32, #tpu.memory_space<hbm>>) dst(%dma_wait3A_44 : memref<864xi32, #tpu.memory_space<vmem>>)
      tpu.yield
    }) : () -> ()
    %add3A_22 = arith.constant 165888 : i32
    %add3A_23 = arith.addi %add3A_22, %mul3A_2 : i32
    "tpu.region"() ({
      %run_scoped3A = tpu.sem_alloc : memref<!tpu.dma_semaphore, #tpu.memory_space<semaphore_mem>>
      %dma_start3A = arith.constant 5184 : i32
      %dma_start3A_36 = tpu.memref_slice %arg11[%dma_start3A] : memref<7776xi32, #tpu.memory_space<vmem>> -> memref<864xi32, #tpu.memory_space<vmem>>
      %dma_start3A_37 = tpu.memref_slice %arg4[%add3A_23] : memref<248832xi32, #tpu.memory_space<hbm>> -> memref<864xi32, #tpu.memory_space<hbm>>
      %dma_start3A_38 = arith.constant 5184 : i32
      %dma_start3A_39 = tpu.memref_slice %arg11[%dma_start3A_38] : memref<7776xi32, #tpu.memory_space<vmem>> -> memref<864xi32, #tpu.memory_space<vmem>>
      %dma_start3A_40 = tpu.memref_slice %arg4[%add3A_23] : memref<248832xi32, #tpu.memory_space<hbm>> -> memref<864xi32, #tpu.memory_space<hbm>>
      tpu.enqueue_dma source(%dma_start3A_40 : memref<864xi32, #tpu.memory_space<hbm>>) target(%dma_start3A_39 : memref<864xi32, #tpu.memory_space<vmem>>) target_semaphore(%run_scoped3A : memref<!tpu.dma_semaphore, #tpu.memory_space<semaphore_mem>>)
      %dma_wait3A = arith.constant 5184 : i32
      %dma_wait3A_41 = tpu.memref_slice %arg11[%dma_wait3A] : memref<7776xi32, #tpu.memory_space<vmem>> -> memref<864xi32, #tpu.memory_space<vmem>>
      %dma_wait3A_42 = tpu.memref_slice %arg4[%add3A_23] : memref<248832xi32, #tpu.memory_space<hbm>> -> memref<864xi32, #tpu.memory_space<hbm>>
      %dma_wait3A_43 = arith.constant 5184 : i32
      %dma_wait3A_44 = tpu.memref_slice %arg11[%dma_wait3A_43] : memref<7776xi32, #tpu.memory_space<vmem>> -> memref<864xi32, #tpu.memory_space<vmem>>
      %dma_wait3A_45 = tpu.memref_slice %arg4[%add3A_23] : memref<248832xi32, #tpu.memory_space<hbm>> -> memref<864xi32, #tpu.memory_space<hbm>>
      tpu.wait_dma2 semaphore(%run_scoped3A : memref<!tpu.dma_semaphore, #tpu.memory_space<semaphore_mem>>) src(%dma_wait3A_45 : memref<864xi32, #tpu.memory_space<hbm>>) dst(%dma_wait3A_44 : memref<864xi32, #tpu.memory_space<vmem>>)
      tpu.yield
    }) : () -> ()
    %add3A_24 = arith.constant 193536 : i32
    %add3A_25 = arith.addi %add3A_24, %mul3A_2 : i32
    "tpu.region"() ({
      %run_scoped3A = tpu.sem_alloc : memref<!tpu.dma_semaphore, #tpu.memory_space<semaphore_mem>>
      %dma_start3A = arith.constant 6048 : i32
      %dma_start3A_36 = tpu.memref_slice %arg11[%dma_start3A] : memref<7776xi32, #tpu.memory_space<vmem>> -> memref<864xi32, #tpu.memory_space<vmem>>
      %dma_start3A_37 = tpu.memref_slice %arg4[%add3A_25] : memref<248832xi32, #tpu.memory_space<hbm>> -> memref<864xi32, #tpu.memory_space<hbm>>
      %dma_start3A_38 = arith.constant 6048 : i32
      %dma_start3A_39 = tpu.memref_slice %arg11[%dma_start3A_38] : memref<7776xi32, #tpu.memory_space<vmem>> -> memref<864xi32, #tpu.memory_space<vmem>>
      %dma_start3A_40 = tpu.memref_slice %arg4[%add3A_25] : memref<248832xi32, #tpu.memory_space<hbm>> -> memref<864xi32, #tpu.memory_space<hbm>>
      tpu.enqueue_dma source(%dma_start3A_40 : memref<864xi32, #tpu.memory_space<hbm>>) target(%dma_start3A_39 : memref<864xi32, #tpu.memory_space<vmem>>) target_semaphore(%run_scoped3A : memref<!tpu.dma_semaphore, #tpu.memory_space<semaphore_mem>>)
      %dma_wait3A = arith.constant 6048 : i32
      %dma_wait3A_41 = tpu.memref_slice %arg11[%dma_wait3A] : memref<7776xi32, #tpu.memory_space<vmem>> -> memref<864xi32, #tpu.memory_space<vmem>>
      %dma_wait3A_42 = tpu.memref_slice %arg4[%add3A_25] : memref<248832xi32, #tpu.memory_space<hbm>> -> memref<864xi32, #tpu.memory_space<hbm>>
      %dma_wait3A_43 = arith.constant 6048 : i32
      %dma_wait3A_44 = tpu.memref_slice %arg11[%dma_wait3A_43] : memref<7776xi32, #tpu.memory_space<vmem>> -> memref<864xi32, #tpu.memory_space<vmem>>
      %dma_wait3A_45 = tpu.memref_slice %arg4[%add3A_25] : memref<248832xi32, #tpu.memory_space<hbm>> -> memref<864xi32, #tpu.memory_space<hbm>>
      tpu.wait_dma2 semaphore(%run_scoped3A : memref<!tpu.dma_semaphore, #tpu.memory_space<semaphore_mem>>) src(%dma_wait3A_45 : memref<864xi32, #tpu.memory_space<hbm>>) dst(%dma_wait3A_44 : memref<864xi32, #tpu.memory_space<vmem>>)
      tpu.yield
    }) : () -> ()
    %add3A_26 = arith.constant 221184 : i32
    %add3A_27 = arith.addi %add3A_26, %mul3A_2 : i32
    "tpu.region"() ({
      %run_scoped3A = tpu.sem_alloc : memref<!tpu.dma_semaphore, #tpu.memory_space<semaphore_mem>>
      %dma_start3A = arith.constant 6912 : i32
      %dma_start3A_36 = tpu.memref_slice %arg11[%dma_start3A] : memref<7776xi32, #tpu.memory_space<vmem>> -> memref<864xi32, #tpu.memory_space<vmem>>
      %dma_start3A_37 = tpu.memref_slice %arg4[%add3A_27] : memref<248832xi32, #tpu.memory_space<hbm>> -> memref<864xi32, #tpu.memory_space<hbm>>
      %dma_start3A_38 = arith.constant 6912 : i32
      %dma_start3A_39 = tpu.memref_slice %arg11[%dma_start3A_38] : memref<7776xi32, #tpu.memory_space<vmem>> -> memref<864xi32, #tpu.memory_space<vmem>>
      %dma_start3A_40 = tpu.memref_slice %arg4[%add3A_27] : memref<248832xi32, #tpu.memory_space<hbm>> -> memref<864xi32, #tpu.memory_space<hbm>>
      tpu.enqueue_dma source(%dma_start3A_40 : memref<864xi32, #tpu.memory_space<hbm>>) target(%dma_start3A_39 : memref<864xi32, #tpu.memory_space<vmem>>) target_semaphore(%run_scoped3A : memref<!tpu.dma_semaphore, #tpu.memory_space<semaphore_mem>>)
      %dma_wait3A = arith.constant 6912 : i32
      %dma_wait3A_41 = tpu.memref_slice %arg11[%dma_wait3A] : memref<7776xi32, #tpu.memory_space<vmem>> -> memref<864xi32, #tpu.memory_space<vmem>>
      %dma_wait3A_42 = tpu.memref_slice %arg4[%add3A_27] : memref<248832xi32, #tpu.memory_space<hbm>> -> memref<864xi32, #tpu.memory_space<hbm>>
      %dma_wait3A_43 = arith.constant 6912 : i32
      %dma_wait3A_44 = tpu.memref_slice %arg11[%dma_wait3A_43] : memref<7776xi32, #tpu.memory_space<vmem>> -> memref<864xi32, #tpu.memory_space<vmem>>
      %dma_wait3A_45 = tpu.memref_slice %arg4[%add3A_27] : memref<248832xi32, #tpu.memory_space<hbm>> -> memref<864xi32, #tpu.memory_space<hbm>>
      tpu.wait_dma2 semaphore(%run_scoped3A : memref<!tpu.dma_semaphore, #tpu.memory_space<semaphore_mem>>) src(%dma_wait3A_45 : memref<864xi32, #tpu.memory_space<hbm>>) dst(%dma_wait3A_44 : memref<864xi32, #tpu.memory_space<vmem>>)
      tpu.yield
    }) : () -> ()
    "tpu.region"() ({
      %run_scoped3A = tpu.sem_alloc : memref<!tpu.dma_semaphore, #tpu.memory_space<semaphore_mem>>
      %dma_start3A = tpu.memref_slice %arg5[%mul3A_2] : memref<27648xf32, #tpu.memory_space<hbm>> -> memref<864xf32, #tpu.memory_space<hbm>>
      %dma_start3A_36 = tpu.memref_slice %arg5[%mul3A_2] : memref<27648xf32, #tpu.memory_space<hbm>> -> memref<864xf32, #tpu.memory_space<hbm>>
      tpu.enqueue_dma source(%dma_start3A_36 : memref<864xf32, #tpu.memory_space<hbm>>) target(%arg12 : memref<864xf32, #tpu.memory_space<vmem>>) target_semaphore(%run_scoped3A : memref<!tpu.dma_semaphore, #tpu.memory_space<semaphore_mem>>)
      %dma_wait3A = tpu.memref_slice %arg5[%mul3A_2] : memref<27648xf32, #tpu.memory_space<hbm>> -> memref<864xf32, #tpu.memory_space<hbm>>
      %dma_wait3A_37 = tpu.memref_slice %arg5[%mul3A_2] : memref<27648xf32, #tpu.memory_space<hbm>> -> memref<864xf32, #tpu.memory_space<hbm>>
      tpu.wait_dma2 semaphore(%run_scoped3A : memref<!tpu.dma_semaphore, #tpu.memory_space<semaphore_mem>>) src(%dma_wait3A_37 : memref<864xf32, #tpu.memory_space<hbm>>) dst(%arg12 : memref<864xf32, #tpu.memory_space<vmem>>)
      tpu.yield
    }) : () -> ()
    "tpu.region"() ({
      %run_scoped3A = tpu.sem_alloc : memref<!tpu.dma_semaphore, #tpu.memory_space<semaphore_mem>>
      %dma_start3A = tpu.memref_slice %arg6[%mul3A_2] : memref<27648xf32, #tpu.memory_space<hbm>> -> memref<864xf32, #tpu.memory_space<hbm>>
      %dma_start3A_36 = tpu.memref_slice %arg6[%mul3A_2] : memref<27648xf32, #tpu.memory_space<hbm>> -> memref<864xf32, #tpu.memory_space<hbm>>
      tpu.enqueue_dma source(%dma_start3A_36 : memref<864xf32, #tpu.memory_space<hbm>>) target(%arg13 : memref<864xf32, #tpu.memory_space<vmem>>) target_semaphore(%run_scoped3A : memref<!tpu.dma_semaphore, #tpu.memory_space<semaphore_mem>>)
      %dma_wait3A = tpu.memref_slice %arg6[%mul3A_2] : memref<27648xf32, #tpu.memory_space<hbm>> -> memref<864xf32, #tpu.memory_space<hbm>>
      %dma_wait3A_37 = tpu.memref_slice %arg6[%mul3A_2] : memref<27648xf32, #tpu.memory_space<hbm>> -> memref<864xf32, #tpu.memory_space<hbm>>
      tpu.wait_dma2 semaphore(%run_scoped3A : memref<!tpu.dma_semaphore, #tpu.memory_space<semaphore_mem>>) src(%dma_wait3A_37 : memref<864xf32, #tpu.memory_space<hbm>>) dst(%arg13 : memref<864xf32, #tpu.memory_space<vmem>>)
      tpu.yield
    }) : () -> ()
    %broadcast_in_dim3A = arith.constant 0.000000e+00 : f32
    %broadcast_in_dim3A_28 = vector.broadcast %broadcast_in_dim3A : f32 to vector<16xf32>
    %scan3A_29 = arith.constant 0 : i32
    %scan3A_30 = arith.constant 54 : i32
    %scan3A_31 = arith.addi %scan3A_29, %scan3A_30 : i32
    %scan3A_32 = arith.constant 1 : i32
    %scan3A_33 = scf.for %scan3A_36 = %scan3A_29 to %scan3A_31 step %scan3A_32 iter_args(%scan3A_37 = %broadcast_in_dim3A_28) -> (vector<16xf32>)  : i32 {
      %mul3A_38 = arith.constant 16 : i32
      %mul3A_39 = arith.muli %scan3A_36, %mul3A_38 : i32
      %add3A_40 = arith.addi %mul3A_2, %mul3A_39 : i32
      %add3A_41 = vector.broadcast %add3A_40 : i32 to vector<16xi32>
      %add3A_42 = arith.addi %add3A_41, %iota3A : vector<16xi32>
      %broadcast_in_dim3A_43 = arith.constant 0.000000e+00 : f32
      %broadcast_in_dim3A_44 = vector.broadcast %broadcast_in_dim3A_43 : f32 to vector<16xf32>
      %broadcast_in_dim3A_45 = arith.constant 0.000000e+00 : f32
      %broadcast_in_dim3A_46 = vector.broadcast %broadcast_in_dim3A_45 : f32 to vector<16xf32>
      %broadcast_in_dim3A_47 = arith.constant 0.000000e+00 : f32
      %broadcast_in_dim3A_48 = vector.broadcast %broadcast_in_dim3A_47 : f32 to vector<16xf32>
      %add3A_49 = arith.constant 0 : i32
      %add3A_50 = arith.addi %add3A_49, %mul3A_39 : i32
      %get3A = arith.index_cast %add3A_50 : i32 to index
      %get3A_51 = tpu.vector_load %arg11[%get3A] {strides = array<i32>} : memref<7776xi32, #tpu.memory_space<vmem>>, vector<16xi32>,
      %gather3A = tpu.vector_load_idx %arg8[%get3A_51] : memref<82944xf32, #tpu.memory_space<vmem>>[vector<16xi32>], vector<16xf32>,
      %add3A_52 = arith.addf %broadcast_in_dim3A_44, %gather3A : vector<16xf32>
      %add3A_53 = arith.constant 27648 : i32
      %add3A_54 = vector.broadcast %add3A_53 : i32 to vector<16xi32>
      %add3A_55 = arith.addi %get3A_51, %add3A_54 : vector<16xi32>
      %gather3A_56 = tpu.vector_load_idx %arg8[%add3A_55] : memref<82944xf32, #tpu.memory_space<vmem>>[vector<16xi32>], vector<16xf32>,
      %add3A_57 = arith.addf %broadcast_in_dim3A_46, %gather3A_56 : vector<16xf32>
      %add3A_58 = arith.constant 55296 : i32
      %add3A_59 = vector.broadcast %add3A_58 : i32 to vector<16xi32>
      %add3A_60 = arith.addi %get3A_51, %add3A_59 : vector<16xi32>
      %gather3A_61 = tpu.vector_load_idx %arg8[%add3A_60] : memref<82944xf32, #tpu.memory_space<vmem>>[vector<16xi32>], vector<16xf32>,
      %add3A_62 = arith.addf %broadcast_in_dim3A_48, %gather3A_61 : vector<16xf32>
      %add3A_63 = arith.constant 864 : i32
      %add3A_64 = arith.addi %add3A_63, %mul3A_39 : i32
      %get3A_65 = arith.index_cast %add3A_64 : i32 to index
      %get3A_66 = tpu.vector_load %arg11[%get3A_65] {strides = array<i32>} : memref<7776xi32, #tpu.memory_space<vmem>>, vector<16xi32>,
      %gather3A_67 = tpu.vector_load_idx %arg8[%get3A_66] : memref<82944xf32, #tpu.memory_space<vmem>>[vector<16xi32>], vector<16xf32>,
      %add3A_68 = arith.addf %add3A_52, %gather3A_67 : vector<16xf32>
      %add3A_69 = arith.constant 27648 : i32
      %add3A_70 = vector.broadcast %add3A_69 : i32 to vector<16xi32>
      %add3A_71 = arith.addi %get3A_66, %add3A_70 : vector<16xi32>
      %gather3A_72 = tpu.vector_load_idx %arg8[%add3A_71] : memref<82944xf32, #tpu.memory_space<vmem>>[vector<16xi32>], vector<16xf32>,
      %add3A_73 = arith.addf %add3A_57, %gather3A_72 : vector<16xf32>
      %add3A_74 = arith.constant 55296 : i32
      %add3A_75 = vector.broadcast %add3A_74 : i32 to vector<16xi32>
      %add3A_76 = arith.addi %get3A_66, %add3A_75 : vector<16xi32>
      %gather3A_77 = tpu.vector_load_idx %arg8[%add3A_76] : memref<82944xf32, #tpu.memory_space<vmem>>[vector<16xi32>], vector<16xf32>,
      %add3A_78 = arith.addf %add3A_62, %gather3A_77 : vector<16xf32>
      %add3A_79 = arith.constant 1728 : i32
      %add3A_80 = arith.addi %add3A_79, %mul3A_39 : i32
      %get3A_81 = arith.index_cast %add3A_80 : i32 to index
      %get3A_82 = tpu.vector_load %arg11[%get3A_81] {strides = array<i32>} : memref<7776xi32, #tpu.memory_space<vmem>>, vector<16xi32>,
      %gather3A_83 = tpu.vector_load_idx %arg8[%get3A_82] : memref<82944xf32, #tpu.memory_space<vmem>>[vector<16xi32>], vector<16xf32>,
      %add3A_84 = arith.addf %add3A_68, %gather3A_83 : vector<16xf32>
      %add3A_85 = arith.constant 27648 : i32
      %add3A_86 = vector.broadcast %add3A_85 : i32 to vector<16xi32>
      %add3A_87 = arith.addi %get3A_82, %add3A_86 : vector<16xi32>
      %gather3A_88 = tpu.vector_load_idx %arg8[%add3A_87] : memref<82944xf32, #tpu.memory_space<vmem>>[vector<16xi32>], vector<16xf32>,
      %add3A_89 = arith.addf %add3A_73, %gather3A_88 : vector<16xf32>
      %add3A_90 = arith.constant 55296 : i32
      %add3A_91 = vector.broadcast %add3A_90 : i32 to vector<16xi32>
      %add3A_92 = arith.addi %get3A_82, %add3A_91 : vector<16xi32>
      %gather3A_93 = tpu.vector_load_idx %arg8[%add3A_92] : memref<82944xf32, #tpu.memory_space<vmem>>[vector<16xi32>], vector<16xf32>,
      %add3A_94 = arith.addf %add3A_78, %gather3A_93 : vector<16xf32>
      %add3A_95 = arith.constant 2592 : i32
      %add3A_96 = arith.addi %add3A_95, %mul3A_39 : i32
      %get3A_97 = arith.index_cast %add3A_96 : i32 to index
      %get3A_98 = tpu.vector_load %arg11[%get3A_97] {strides = array<i32>} : memref<7776xi32, #tpu.memory_space<vmem>>, vector<16xi32>,
      %gather3A_99 = tpu.vector_load_idx %arg8[%get3A_98] : memref<82944xf32, #tpu.memory_space<vmem>>[vector<16xi32>], vector<16xf32>,
      %add3A_100 = arith.addf %add3A_84, %gather3A_99 : vector<16xf32>
      %add3A_101 = arith.constant 27648 : i32
      %add3A_102 = vector.broadcast %add3A_101 : i32 to vector<16xi32>
      %add3A_103 = arith.addi %get3A_98, %add3A_102 : vector<16xi32>
      %gather3A_104 = tpu.vector_load_idx %arg8[%add3A_103] : memref<82944xf32, #tpu.memory_space<vmem>>[vector<16xi32>], vector<16xf32>,
      %add3A_105 = arith.addf %add3A_89, %gather3A_104 : vector<16xf32>
      %add3A_106 = arith.constant 55296 : i32
      %add3A_107 = vector.broadcast %add3A_106 : i32 to vector<16xi32>
      %add3A_108 = arith.addi %get3A_98, %add3A_107 : vector<16xi32>
      %gather3A_109 = tpu.vector_load_idx %arg8[%add3A_108] : memref<82944xf32, #tpu.memory_space<vmem>>[vector<16xi32>], vector<16xf32>,
      %add3A_110 = arith.addf %add3A_94, %gather3A_109 : vector<16xf32>
      %add3A_111 = arith.constant 3456 : i32
      %add3A_112 = arith.addi %add3A_111, %mul3A_39 : i32
      %get3A_113 = arith.index_cast %add3A_112 : i32 to index
      %get3A_114 = tpu.vector_load %arg11[%get3A_113] {strides = array<i32>} : memref<7776xi32, #tpu.memory_space<vmem>>, vector<16xi32>,
      %gather3A_115 = tpu.vector_load_idx %arg8[%get3A_114] : memref<82944xf32, #tpu.memory_space<vmem>>[vector<16xi32>], vector<16xf32>,
      %add3A_116 = arith.addf %add3A_100, %gather3A_115 : vector<16xf32>
      %add3A_117 = arith.constant 27648 : i32
      %add3A_118 = vector.broadcast %add3A_117 : i32 to vector<16xi32>
      %add3A_119 = arith.addi %get3A_114, %add3A_118 : vector<16xi32>
      %gather3A_120 = tpu.vector_load_idx %arg8[%add3A_119] : memref<82944xf32, #tpu.memory_space<vmem>>[vector<16xi32>], vector<16xf32>,
      %add3A_121 = arith.addf %add3A_105, %gather3A_120 : vector<16xf32>
      %add3A_122 = arith.constant 55296 : i32
      %add3A_123 = vector.broadcast %add3A_122 : i32 to vector<16xi32>
      %add3A_124 = arith.addi %get3A_114, %add3A_123 : vector<16xi32>
      %gather3A_125 = tpu.vector_load_idx %arg8[%add3A_124] : memref<82944xf32, #tpu.memory_space<vmem>>[vector<16xi32>], vector<16xf32>,
      %add3A_126 = arith.addf %add3A_110, %gather3A_125 : vector<16xf32>
      %add3A_127 = arith.constant 4320 : i32
      %add3A_128 = arith.addi %add3A_127, %mul3A_39 : i32
      %get3A_129 = arith.index_cast %add3A_128 : i32 to index
      %get3A_130 = tpu.vector_load %arg11[%get3A_129] {strides = array<i32>} : memref<7776xi32, #tpu.memory_space<vmem>>, vector<16xi32>,
      %gather3A_131 = tpu.vector_load_idx %arg8[%get3A_130] : memref<82944xf32, #tpu.memory_space<vmem>>[vector<16xi32>], vector<16xf32>,
      %add3A_132 = arith.addf %add3A_116, %gather3A_131 : vector<16xf32>
      %add3A_133 = arith.constant 27648 : i32
      %add3A_134 = vector.broadcast %add3A_133 : i32 to vector<16xi32>
      %add3A_135 = arith.addi %get3A_130, %add3A_134 : vector<16xi32>
      %gather3A_136 = tpu.vector_load_idx %arg8[%add3A_135] : memref<82944xf32, #tpu.memory_space<vmem>>[vector<16xi32>], vector<16xf32>,
      %add3A_137 = arith.addf %add3A_121, %gather3A_136 : vector<16xf32>
      %add3A_138 = arith.constant 55296 : i32
      %add3A_139 = vector.broadcast %add3A_138 : i32 to vector<16xi32>
      %add3A_140 = arith.addi %get3A_130, %add3A_139 : vector<16xi32>
      %gather3A_141 = tpu.vector_load_idx %arg8[%add3A_140] : memref<82944xf32, #tpu.memory_space<vmem>>[vector<16xi32>], vector<16xf32>,
      %add3A_142 = arith.addf %add3A_126, %gather3A_141 : vector<16xf32>
      %add3A_143 = arith.constant 5184 : i32
      %add3A_144 = arith.addi %add3A_143, %mul3A_39 : i32
      %get3A_145 = arith.index_cast %add3A_144 : i32 to index
      %get3A_146 = tpu.vector_load %arg11[%get3A_145] {strides = array<i32>} : memref<7776xi32, #tpu.memory_space<vmem>>, vector<16xi32>,
      %gather3A_147 = tpu.vector_load_idx %arg8[%get3A_146] : memref<82944xf32, #tpu.memory_space<vmem>>[vector<16xi32>], vector<16xf32>,
      %add3A_148 = arith.addf %add3A_132, %gather3A_147 : vector<16xf32>
      %add3A_149 = arith.constant 27648 : i32
      %add3A_150 = vector.broadcast %add3A_149 : i32 to vector<16xi32>
      %add3A_151 = arith.addi %get3A_146, %add3A_150 : vector<16xi32>
      %gather3A_152 = tpu.vector_load_idx %arg8[%add3A_151] : memref<82944xf32, #tpu.memory_space<vmem>>[vector<16xi32>], vector<16xf32>,
      %add3A_153 = arith.addf %add3A_137, %gather3A_152 : vector<16xf32>
      %add3A_154 = arith.constant 55296 : i32
      %add3A_155 = vector.broadcast %add3A_154 : i32 to vector<16xi32>
      %add3A_156 = arith.addi %get3A_146, %add3A_155 : vector<16xi32>
      %gather3A_157 = tpu.vector_load_idx %arg8[%add3A_156] : memref<82944xf32, #tpu.memory_space<vmem>>[vector<16xi32>], vector<16xf32>,
      %add3A_158 = arith.addf %add3A_142, %gather3A_157 : vector<16xf32>
      %add3A_159 = arith.constant 6048 : i32
      %add3A_160 = arith.addi %add3A_159, %mul3A_39 : i32
      %get3A_161 = arith.index_cast %add3A_160 : i32 to index
      %get3A_162 = tpu.vector_load %arg11[%get3A_161] {strides = array<i32>} : memref<7776xi32, #tpu.memory_space<vmem>>, vector<16xi32>,
      %gather3A_163 = tpu.vector_load_idx %arg8[%get3A_162] : memref<82944xf32, #tpu.memory_space<vmem>>[vector<16xi32>], vector<16xf32>,
      %add3A_164 = arith.addf %add3A_148, %gather3A_163 : vector<16xf32>
      %add3A_165 = arith.constant 27648 : i32
      %add3A_166 = vector.broadcast %add3A_165 : i32 to vector<16xi32>
      %add3A_167 = arith.addi %get3A_162, %add3A_166 : vector<16xi32>
      %gather3A_168 = tpu.vector_load_idx %arg8[%add3A_167] : memref<82944xf32, #tpu.memory_space<vmem>>[vector<16xi32>], vector<16xf32>,
      %add3A_169 = arith.addf %add3A_153, %gather3A_168 : vector<16xf32>
      %add3A_170 = arith.constant 55296 : i32
      %add3A_171 = vector.broadcast %add3A_170 : i32 to vector<16xi32>
      %add3A_172 = arith.addi %get3A_162, %add3A_171 : vector<16xi32>
      %gather3A_173 = tpu.vector_load_idx %arg8[%add3A_172] : memref<82944xf32, #tpu.memory_space<vmem>>[vector<16xi32>], vector<16xf32>,
      %add3A_174 = arith.addf %add3A_158, %gather3A_173 : vector<16xf32>
      %add3A_175 = arith.constant 6912 : i32
      %add3A_176 = arith.addi %add3A_175, %mul3A_39 : i32
      %get3A_177 = arith.index_cast %add3A_176 : i32 to index
      %get3A_178 = tpu.vector_load %arg11[%get3A_177] {strides = array<i32>} : memref<7776xi32, #tpu.memory_space<vmem>>, vector<16xi32>,
      %gather3A_179 = tpu.vector_load_idx %arg8[%get3A_178] : memref<82944xf32, #tpu.memory_space<vmem>>[vector<16xi32>], vector<16xf32>,
      %add3A_180 = arith.addf %add3A_164, %gather3A_179 : vector<16xf32>
      %add3A_181 = arith.constant 27648 : i32
      %add3A_182 = vector.broadcast %add3A_181 : i32 to vector<16xi32>
      %add3A_183 = arith.addi %get3A_178, %add3A_182 : vector<16xi32>
      %gather3A_184 = tpu.vector_load_idx %arg8[%add3A_183] : memref<82944xf32, #tpu.memory_space<vmem>>[vector<16xi32>], vector<16xf32>,
      %add3A_185 = arith.addf %add3A_169, %gather3A_184 : vector<16xf32>
      %add3A_186 = arith.constant 55296 : i32
      %add3A_187 = vector.broadcast %add3A_186 : i32 to vector<16xi32>
      %add3A_188 = arith.addi %get3A_178, %add3A_187 : vector<16xi32>
      %gather3A_189 = tpu.vector_load_idx %arg8[%add3A_188] : memref<82944xf32, #tpu.memory_space<vmem>>[vector<16xi32>], vector<16xf32>,
      %add3A_190 = arith.addf %add3A_174, %gather3A_189 : vector<16xf32>
      %gather3A_191 = tpu.vector_load_idx %arg8[%add3A_42] : memref<82944xf32, #tpu.memory_space<vmem>>[vector<16xi32>], vector<16xf32>,
      %add3A_192 = arith.constant 27648 : i32
      %add3A_193 = vector.broadcast %add3A_192 : i32 to vector<16xi32>
      %add3A_194 = arith.addi %add3A_42, %add3A_193 : vector<16xi32>
      %gather3A_195 = tpu.vector_load_idx %arg8[%add3A_194] : memref<82944xf32, #tpu.memory_space<vmem>>[vector<16xi32>], vector<16xf32>,
      %add3A_196 = arith.constant 55296 : i32
      %add3A_197 = vector.broadcast %add3A_196 : i32 to vector<16xi32>
      %add3A_198 = arith.addi %add3A_42, %add3A_197 : vector<16xi32>
      %gather3A_199 = tpu.vector_load_idx %arg8[%add3A_198] : memref<82944xf32, #tpu.memory_space<vmem>>[vector<16xi32>], vector<16xf32>,
      %get3A_200 = arith.index_cast %mul3A_39 : i32 to index
      %get3A_201 = tpu.vector_load %arg12[%get3A_200] {strides = array<i32>} : memref<864xf32, #tpu.memory_space<vmem>>, vector<16xf32>,
      %div3A = arith.constant 1.000000e+00 : f32
      %div3A_202 = vector.broadcast %div3A : f32 to vector<16xf32>
      %div3A_203 = arith.divf %div3A_202, %get3A_201 : vector<16xf32>
      %mul3A_204 = arith.mulf %add3A_180, %div3A_203 : vector<16xf32>
      %sub3A = arith.subf %gather3A_191, %mul3A_204 : vector<16xf32>
      %mul3A_205 = arith.mulf %add3A_185, %div3A_203 : vector<16xf32>
      %sub3A_206 = arith.subf %gather3A_195, %mul3A_205 : vector<16xf32>
      %mul3A_207 = arith.mulf %add3A_190, %div3A_203 : vector<16xf32>
      %sub3A_208 = arith.subf %gather3A_199, %mul3A_207 : vector<16xf32>
      %get3A_209 = arith.index_cast %mul3A_39 : i32 to index
      %get3A_210 = tpu.vector_load %arg13[%get3A_209] {strides = array<i32>} : memref<864xf32, #tpu.memory_space<vmem>>, vector<16xf32>,
      %mul3A_211 = arith.mulf %sub3A, %sub3A : vector<16xf32>
      %mul3A_212 = arith.mulf %sub3A_206, %sub3A_206 : vector<16xf32>
      %add3A_213 = arith.addf %mul3A_211, %mul3A_212 : vector<16xf32>
      %mul3A_214 = arith.mulf %sub3A_208, %sub3A_208 : vector<16xf32>
      %add3A_215 = arith.addf %add3A_213, %mul3A_214 : vector<16xf32>
      %mul3A_216 = arith.mulf %get3A_210, %add3A_215 : vector<16xf32>
      %add3A_217 = arith.addf %scan3A_37, %mul3A_216 : vector<16xf32>
      scf.yield %add3A_217 : vector<16xf32>
    }
    %scan3A_34 = arith.constant 54 : i32
    %swap3A = arith.constant 0 : index
    %swap3A_35 = tpu.vector_load %arg14[%swap3A] {strides = array<i32>} : memref<16xf32, #tpu.memory_space<vmem>>, vector<16xf32>,
    tpu.vector_store %arg14[%swap3A], %scan3A_33 {strides = array<i32>} : memref<16xf32, #tpu.memory_space<vmem>>, vector<16xf32>,
    "tpu.region"() ({
      %run_scoped3A = tpu.sem_alloc : memref<!tpu.dma_semaphore, #tpu.memory_space<semaphore_mem>>
      %dma_start3A = arith.constant 0 : i32
      %dma_start3A_36 = tpu.memref_slice %arg7[%add3A, %dma_start3A] : memref<32x16xf32, #tpu.memory_space<hbm>> -> memref<1x16xf32, #tpu.memory_space<hbm>>
      %dma_start3A_37 = tpu.memref_squeeze %dma_start3A_36 : memref<1x16xf32, #tpu.memory_space<hbm>> -> memref<16xf32, #tpu.memory_space<hbm>>
      %dma_start3A_38 = arith.constant 0 : i32
      %dma_start3A_39 = tpu.memref_slice %arg7[%add3A, %dma_start3A_38] : memref<32x16xf32, #tpu.memory_space<hbm>> -> memref<1x16xf32, #tpu.memory_space<hbm>>
      %dma_start3A_40 = tpu.memref_squeeze %dma_start3A_39 : memref<1x16xf32, #tpu.memory_space<hbm>> -> memref<16xf32, #tpu.memory_space<hbm>>
      tpu.enqueue_dma source(%arg14 : memref<16xf32, #tpu.memory_space<vmem>>) target(%dma_start3A_40 : memref<16xf32, #tpu.memory_space<hbm>>) target_semaphore(%run_scoped3A : memref<!tpu.dma_semaphore, #tpu.memory_space<semaphore_mem>>)
      %dma_wait3A = arith.constant 0 : i32
      %dma_wait3A_41 = tpu.memref_slice %arg7[%add3A, %dma_wait3A] : memref<32x16xf32, #tpu.memory_space<hbm>> -> memref<1x16xf32, #tpu.memory_space<hbm>>
      %dma_wait3A_42 = tpu.memref_squeeze %dma_wait3A_41 : memref<1x16xf32, #tpu.memory_space<hbm>> -> memref<16xf32, #tpu.memory_space<hbm>>
      %dma_wait3A_43 = arith.constant 0 : i32
      %dma_wait3A_44 = tpu.memref_slice %arg7[%add3A, %dma_wait3A_43] : memref<32x16xf32, #tpu.memory_space<hbm>> -> memref<1x16xf32, #tpu.memory_space<hbm>>
      %dma_wait3A_45 = tpu.memref_squeeze %dma_wait3A_44 : memref<1x16xf32, #tpu.memory_space<hbm>> -> memref<16xf32, #tpu.memory_space<hbm>>
      tpu.wait_dma2 semaphore(%run_scoped3A : memref<!tpu.dma_semaphore, #tpu.memory_space<semaphore_mem>>) src(%arg14 : memref<16xf32, #tpu.memory_space<vmem>>) dst(%dma_wait3A_45 : memref<16xf32, #tpu.memory_space<hbm>>)
      tpu.yield
    }) : () -> ()
    return
  }
}

</mosaic_0001>

<sc_bundles>
// kernel: kernel.3.cloned.1.call-start
scs
__scs_entry_jumppad:
0x0: {  	(pc) =	sbr.rel $0x88, $3  }
0x1: {  	(tag) =	ssettag $0x0;
	lr =	simm.s32 $0x1  }
0x2: {  	[smem:$0x3F9C] =	sst lr;
	_ =	strace $0xD0000000  }
0x3: {  	_ = 	snop  }
0x4: {  	_ = 	snop  }
0x5: {  	_ = 	snop  }
0x6: {  	_ = 	snop  }
0x7: {  	_ = 	snop  }
__scs_overlays_trampoline_lowered:
0x8: {  	[smem:$0x3FAB] =	sst s0  }
0x9: {  	[smem:$0x3FAC] =	sst s1  }
0xa: {  	[smem:$0x3FAD] =	sst s2  }
0xb: {  	[smem:$0x3FAE] =	sst s3  }
0xc: {  	[smem:$0x3FAF] =	sst s4  }
0xd: {  	[smem:$0x3FB0] =	sst s5  }
0xe: {  	[smem:$0x3FB1] =	sst s6  }
0xf: {  	[smem:$0x3FB2] =	sst s7  }
0x10: {  	[smem:$0x3FB3] =	sst s8  }
0x11: {  	[smem:$0x3FB4] =	sst s9;
	s0 =	simm.s32 @!p0 $0x0  }
0x12: {  	s1 =	sld [smem:$0x3F9A];
	s0 =	simm.s32 @p0 $0x1  }
0x13: {  	[smem:$0x3FB5] =	sst s0;
	s0 =	simm.s32 @!p1 $0x0  }
0x14: {  	s2 =	sld [smem:$0x3F99];
	s0 =	simm.s32 @p1 $0x1  }
0x15: {  	[smem:$0x3FB6] =	sst s0;
	s0 =	simm.s32 @!p2 $0x0  }
0x16: {  	s3 =	sld [smem:$0x3FDB];
	s0 =	simm.s32 @p2 $0x1  }
0x17: {  	s4 =	simm.s32 $0x1BF5;
	[smem:$0x3FB8] =	sst s0  }
0x18: {  	s0 =	sld [smem:$0x3F9B];
	_ =	swait.ge [sflag:s4], $0x0  }
0x19: {  	s7 =	sld [smem:$0x3F9C]  }
0x1a: {  	s8 =	sadd.s32 $0xFFFFE003, lr  }
0x1b: {  	s9 =	sadd.s32 $0xFFFFFEF7, lr;
	s5 =	simm.s32 $0xFFFFFFFF;
	p2 =	slt.u32 s8, $0xFFFFF086  }
0x1c: {  	p1 =	slt.u32 s9, $0xF7A;
	s5 =	simm.s32 @!p2 $0x0  }
0x1d: {  	s5 =	simm.s32 @p1 $0x1;
	p0 =	seq.s32 s7, s2  }
0x1e: {  	s7 =	smul.u32 @!p0 $0xF7A, s2;
	p2 =	seq.s32 @!p0 s5, $0x0  }
0x1f: {  	s9 =	smul.u32 $0xF7A, s1;
	s8 =	simm.s32 @!p0 $0x1BF5;
	p2 =	por !p2, p0  }
0x20: {  	[sflag:s8] =	ssyncset.s32 @!p0 $0xFFFFF086;
	s6 =	sadd.s32 @!p0 s3, s7;
	s7 =	simm.s32 @!p0 $0x108  }
0x21: {  	s3 =	sadd.s32 s3, s9;
	s6 =	sadd.s32 @!p0 $0x88, s6;
	s7 =	simm.s32 @p2 $0x1082  }
0x22: {  	[simem:s7], [sflag:s8] =	dma.local @!p0 [hbm:s6], $0xF7A  }
0x23: {  	s9 =	sor.u32 $0xD0000000, s2;
	s6 =	simm.s32 $0x108;
	_ =	swait.ge @!p0 [sflag:s8], $0x0  }
0x24: {  	s3 =	sadd.s32 $0x88, s3;
	s6 =	simm.s32 @!p1 $0x1082;
	[sflag:s4] =	ssyncset.s32 $0xFFFFF086  }
0x25: {  	[simem:s6], [sflag:s4] =	dma.local [hbm:s3], $0xF7A  }
0x26: {  	[smem:$0x3F9C] =	sst s1;
	(tag) =	ssettag s2;
	_ =	strace s9  }
0x27: {  	s1 =	sld [smem:$0x3FAC]  }
0x28: {  	s2 =	sld [smem:$0x3FAD]  }
0x29: {  	s4 =	sld [smem:$0x3FAF]  }
0x2a: {  	p0 =	seq.s32 s5, $0x0;
	s5 =	sld [smem:$0x3FB0]  }
0x2b: {  	s6 =	sld [smem:$0x3FB1]  }
0x2c: {  	s7 =	sld [smem:$0x3FB2]  }
0x2d: {  	s3 =	simm.s32 $0x108;
	s8 =	sld [smem:$0x3FB3]  }
0x2e: {  	s3 =	simm.s32 @!p0 $0x1082;
	s9 =	sld [smem:$0x3FB4]  }
0x2f: {  	lr =	sadd.s32 s0, s3;
	s0 =	sld [smem:$0x3FAB]  }
0x30: {  	s3 =	sld [smem:$0x3FAE]  }
0x31: {  	[smem:$0x3FB7] =	sst s10  }
0x32: {  	s10 =	sld [smem:$0x3FB5];
	_ =	sdelay $0x3  }
0x33: {  	p0 =	seq.s32 s10, $0x1;
	s10 =	sld [smem:$0x3FB7];
	_ =	sdelay $0x3  }
0x34: {  	[smem:$0x3FB7] =	sst s10  }
0x35: {  	s10 =	sld [smem:$0x3FB6];
	_ =	sdelay $0x3  }
0x36: {  	p1 =	seq.s32 s10, $0x1;
	s10 =	sld [smem:$0x3FB7];
	_ =	sdelay $0x3  }
0x37: {  	[smem:$0x3FB7] =	sst s10  }
0x38: {  	s10 =	sld [smem:$0x3FB8]  }
0x39: {  	_ = 	snop;
	(pc) =	sbr.ind lr, $3  }
0x3a: {  	_ = 	snop  }
0x3b: {  	_ = 	snop  }
0x3c: {  	p2 =	seq.s32 s10, $0x1;
	s10 =	sld [smem:$0x3FB7]  }
0x3d: {  	_ =	shalt  }
0x3e: {  	_ =	shalt  }
0x3f: {  	_ =	shalt  }
0x40: {  	_ =	shalt  }
0x41: {  	_ =	shalt  }
0x42: {  	_ =	shalt  }
0x43: {  	_ =	shalt  }
0x44: {  	_ =	shalt  }
0x45: {  	_ =	shalt  }
0x46: {  	_ =	shalt  }
0x47: {  	_ =	shalt  }
0x48: {  	_ =	shalt  }
0x49: {  	_ =	shalt  }
0x4a: {  	_ =	shalt  }
0x4b: {  	_ =	shalt  }
0x4c: {  	_ =	shalt  }
0x4d: {  	_ =	shalt  }
0x4e: {  	_ =	shalt  }
0x4f: {  	_ =	shalt  }
0x50: {  	_ =	shalt  }
0x51: {  	_ =	shalt  }
0x52: {  	_ =	shalt  }
0x53: {  	_ =	shalt  }
0x54: {  	_ =	shalt  }
0x55: {  	_ =	shalt  }
0x56: {  	_ =	shalt  }
0x57: {  	_ =	shalt  }
0x58: {  	_ =	shalt  }
0x59: {  	_ =	shalt  }
0x5a: {  	_ =	shalt  }
0x5b: {  	_ =	shalt  }
0x5c: {  	_ =	shalt  }
0x5d: {  	_ =	shalt  }
0x5e: {  	_ =	shalt  }
0x5f: {  	_ =	shalt  }
0x60: {  	_ =	shalt  }
0x61: {  	_ =	shalt  }
0x62: {  	_ =	shalt  }
0x63: {  	_ =	shalt  }
0x64: {  	_ =	shalt  }
0x65: {  	_ =	shalt  }
0x66: {  	_ =	shalt  }
0x67: {  	_ =	shalt  }
0x68: {  	_ =	shalt  }
0x69: {  	_ =	shalt  }
0x6a: {  	_ =	shalt  }
0x6b: {  	_ =	shalt  }
0x6c: {  	_ =	shalt  }
0x6d: {  	_ =	shalt  }
0x6e: {  	_ =	shalt  }
0x6f: {  	_ =	shalt  }
0x70: {  	_ =	shalt  }
0x71: {  	_ =	shalt  }
0x72: {  	_ =	shalt  }
0x73: {  	_ =	shalt  }
0x74: {  	_ =	shalt  }
0x75: {  	_ =	shalt  }
0x76: {  	_ =	shalt  }
0x77: {  	_ =	shalt  }
0x78: {  	_ =	shalt  }
0x79: {  	_ =	shalt  }
0x7a: {  	_ =	shalt  }
0x7b: {  	_ =	shalt  }
0x7c: {  	_ =	shalt  }
0x7d: {  	_ =	shalt  }
0x7e: {  	_ =	shalt  }
0x7f: {  	_ =	shalt  }
0x80: {  	_ =	shalt  }
0x81: {  	_ =	shalt  }
0x82: {  	_ =	shalt  }
0x83: {  	_ =	shalt  }
0x84: {  	_ =	shalt  }
0x85: {  	_ =	shalt  }
0x86: {  	_ =	shalt  }
0x87: {  	_ =	shalt  }
.Lfunc_end0:
.L_simem_size_0:
called_computation_lowered:
.L_overlay_start_0:
0x88: {  	s2 =	sld [smem:$0x3FD9]  }
0x89: {  	s3 =	sld [smem:$0x3FFE];
	_ =	sdelay $0x1  }
0x8a: {  	s1 =	srdreg.scid  }
0x8b: {  	s0 =	sand.u32 $0x1, s1  }
0x8c: {  	s16 =	sshll.u32 s0, $0xA;
	s2 =	sadd.s32 s3, s2  }
0x8d: {  	s2 =	sadd.s32 s2, s16  }
0x8e: {  	[smem:$0x3FC3] =	sst s2  }
0x8f: {  	_ = 	snop  }
0x90: {  	(tm) =	ssettm $0x1  }
0x91: {  	s17 =	sld [smem:$0x3FFB];
	_ =	sdelay $0x3  }
0x92: {  	_ =	strace s17  }
0x93: {  	s2 =	sld [smem:$0x3FFC];
	_ =	sdelay $0x3  }
0x94: {  	_ =	strace s2  }
0x95: {  	s2 =	sld [smem:$0x3FFD];
	_ =	sdelay $0x3  }
0x96: {  	_ =	strace s2  }
0x97: {  	_ =	strace $0x8FFFFFFF  }
0x98: {  	s18 =	sld [smem:$0x3FDB];
	_ =	sdelay $0x1  }
0x99: {  	s19 =	simm.s32 $_scs_section_size  }
0x9a: {  	s4 =	simm.s32 $_size__tile_overlayer_lowered;
	s5 =	simm.s32 $_tile_overlayer_lowered  }
0x9b: {  	s22 =	simm.s32 $0x1BFF;
	s21 =	sshll.u32 s5, $0x1;
	s2 =	sadd.s32 s19, s18  }
0x9c: {  	s6 =	simm.s32 $0x0;
	s20 =	sshll.u32 s4, $0x1;
	s4 =	sadd.s32 s21, s2  }
0x9d: {  	[timem:s6], [sflag:s22] =	dma.local [hbm:s4], s20  }
0x9e: {  	_ =	swait.ge [sflag:s22], s20  }
0x9f: {  	s3 =	ssub.s32 $0x0, s20;
	[sflag:s22] =	ssyncset.done $0x0  }
0xa0: {  	[sflag:s22] =	ssyncadd.s32 s3;
	_ =	sdelay $0x1  }
0xa1: {  	s23 =	simm.s32 $0x1B8B  }
0xa2: {  	_ =	swait.ge [sflag:s23], $0x1  }
0xa3: {  	[sflag:s23] =	ssyncset.done $0x0  }
0xa4: {  	s25 =	simm.s32 $0x1B8E;
	s24 =	sld [smem:$0x3FFE];
	[sflag:s23] =	ssyncadd.s32 $0xFFFFFFFF  }
0xa5: {  	s26 =	simm.s32 $execute0_lowered;
	[smem:$0x3FD2] =	sst s25  }
0xa6: {  	s4 =	sshll.u32 s26, $0x1;
	_ =	strace $0x80000046;
	[dreg:$0x1] =	wrdreg $0xFFFFFFFF  }
0xa7: {  	s28 =	simm.s32 $_size_execute0_lowered;
	s2 =	sadd.s32 s2, s4;
	[dreg:$0x0] =	wrdreg $0x0  }
0xa8: {  	s4 =	sshll.u32 s28, $0x1;
	[dreg:$0x2] =	wrdreg s2  }
0xa9: {  	[dreg:$0x3] =	wrdreg s4  }
0xaa: {  	[dreg:$0x4] =	wrdreg $0xC0  }
0xab: {  	_ =	task [dreg:s6], $0x5FFFF  }
0xac: {  	[dreg:$0x1] =	wrdreg $0xFFFFFFFF  }
0xad: {  	[dreg:$0x0] =	wrdreg $0x60  }
0xae: {  	[dreg:$0x2] =	wrdreg s24  }
0xaf: {  	[dreg:$0x3] =	wrdreg $0x191B00  }
0xb0: {  	[dreg:$0x4] =	wrdreg $0x9  }
0xb1: {  	_ =	task.clear_ibuf [dreg:s6], $0x5FFFF;
	_ =	strace $0x90000046  }
0xb2: {  	s29 =	simm.s32 $0x9;
	_ =	strace $0x80000048  }
0xb3: {  	_ =	swait.ge [sflag:s29], $0x1  }
0xb4: {  	[sflag:s29] =	ssyncadd.s32 $0xFFFFFFFF  }
0xb5: {  	_ =	strace $0x90000048  }
0xb6: {  	_ =	sfence  }
0xb7: {  	s30 =	sld [smem:$0x0];
	_ =	sdelay $0x2  }
0xb8: {  	s31 =	sshll.u32 s1, $0xD;
	s1 =	sshrl.u32 s1, $0x2  }
0xb9: {  	s3 =	sand.u32 $0x4000, s31;
	s1 =	sadd.s32 s1, s30  }
0xba: {  	s0 =	sor.u32 s3, s0;
	s1 =	sshll.u32 s1, $0x11  }
0xbb: {  	s0 =	sor.u32 s1, s0  }
0xbc: {  	s0 =	sadd.s32 $0x8F2B, s0  }
0xbd: {  	[sflag:s0] =	ssyncadd.remote.s32 $0x1  }
0xbe: {  	_ =	sfence.sel $0xFFFF  }
0xbf: {  	[dreg:$0x0] =	wrdreg $0xFFFFFFFF;
	(pc) =	sbr.abs _section_cstart, $3  }
0xc0: {  	[dreg:$0x1] =	wrdreg $0xFFFFFFFF  }
0xc1: {  	_ =	task.clear_ibuf [dreg:s6], $0x2FFFF;
	_ =	strace $0x9FFFFFFF  }
0xc2: {  	(tm) =	ssettm $0x7FFFFFFF  }
0xc3: {  	_ =	shalt  }
tec
execute0_lowered:
.L_overlay_start_1:
0x0: {  	(tag) =	ssettag $0x1  }
0x1: {  	s0 =	rddreg [dreg:$0x0]  }
0x2: {  	s8 =	rddreg [dreg:$0x1]  }
0x3: {  	s14 =	stileid.u32;
	s1 =	srdreg.scid;
	s3 =	simm.s32 $0x0  }
0x4: {  	s21 =	simm.s32 $0x14400;
	s22 =	simm.s32 $0x1;
	s30 =	simm.s32 $0x17D60  }
0x5: {  	s31 =	simm.s32 $0x180C0;
	s23 =	simm.s32 $0x18E40;
	s24 =	simm.s32 $0x191A0  }
0x6: {  	s25 =	simm.s32 $0x0;
	s2 =	smul.u32 $0x1440, s14;
	s1 =	sand.u32 $0x1, s1  }
0x7: {  	s4 =	sshll.u32 s14, $0x1;
	[smem:$0x7FF] =	sst s3;
	s29 =	smul.u32 $0x6C0, s14  }
0x8: {  	s4 =	sor.u32 s1, s4;
	s7 =	ssub.s32 $0x2, s1;
	s1 =	smul.u32 $0x360, s1  }
0x9: {  	_ =	strace $0x80000047;
	s5 =	sshrl.u32 s2, $0x3;
	s6 =	smul.u32 $0x360, s4  }
0xa: {  	s4 =	sshll.u32 s4, $0x1;
	s26 =	sshrl.u32 s7, $0x1;
	s5 =	sadd.s32 s5, s0  }
0xb: {  	s19 =	ssub.s32 s7, s26;
	s28 =	sadd.s32 s1, s29;
	s6 =	sshrl.u32 s6, $0x3  }
0xc: {  	s1 =	simm.s32 $0x18420;
	s19 =	smax.u32 s19, $0x1;
	s17 =	sadd.s32 s6, s0  }
0xd: {  	s0 =	sadd.s32 s4, s0;
	s4 =	sadd.s32 $0xAC00, s5;
	s5 =	sadd.s32 $0x8200, s5  }
0xe: {  	s6 =	sadd.s32 s2, s8;
	s2 =	simm.s32 $0x18AE0;
	s7 =	sadd.s32 $0x800, s17  }
0xf: {  	s8 =	sadd.s32 $0x1580, s17;
	s9 =	sadd.s32 $0x2300, s17;
	s10 =	sadd.s32 $0x3080, s17  }
0x10: {  	v0 =	vlaneseq.u32;
	s11 =	sadd.s32 $0x3E00, s17;
	s12 =	sadd.s32 $0x4B80, s17;
	s13 =	sadd.s32 $0x5900, s17  }
0x11: {  	v1 =	vand.u32 $0x7, v0;
	s14 =	sadd.s32 $0x6680, s17;
	s15 =	sadd.s32 $0x7400, s17;
	s16 =	sadd.s32 $0xE400, s17  }
0x12: {  	v3 =	vor.u32 $0x6C00, v0;
	v4 =	vor.u32 $0xD800, v0;
	v2 =	vor.u32 $0xFFFFFFF8, v1;
	s17 =	sadd.s32 $0xD600, s17;
	s18 =	sadd.s32 $0xF200, s0;
	s0 =	simm.s32 $0x18780  }
.LBB2_1:
0x13: {  	[tilespmem:s21], [sflag:$0x1] =	stream.linear.gather [hbm4b:s4+s3], $0x1440, $0x38;
	[tilespmem:$0x1A5F0] =	vst v63  }
0x14: {  	_ =	swait.ge [sflag:s22], $0x1440  }
0x15: {  	[sflag:s22] =	ssyncset.done $0x0  }
0x16: {  	s20 =	simm.s32 $0x15840;
	[sflag:s22] =	ssyncadd.s32 $0xFFFFEBC0  }
0x17: {  	[tilespmem:s20], [sflag:$0x1] =	stream.linear.gather [hbm4b:s5+s3], $0x1440, $0x38;
	[tilespmem:$0x1A5F0] =	vst v63  }
0x18: {  	_ =	swait.ge [sflag:s22], $0x1440  }
0x19: {  	[sflag:s22] =	ssyncset.done $0x0  }
0x1a: {  	s20 =	simm.s32 $0x0;
	[sflag:s22] =	ssyncadd.s32 $0xFFFFEBC0  }
0x1b: {  	s26 =	simm.s32 $0x40;
	v5 =	vld [tilespmem:s20+$0x15840]  }
.LBB2_2:
0x1c: {  	p0 =	sne.s32 s26, $0x50C0;
	v6 =	vld [tilespmem:s20+$0x14400];
	_ =	sdelay $0x2  }
.Ltmp0:
0x1d: {  	(pc) =	sbr.rel @p0 .LBB2_2-.Ltmp0, $4  }
0x1e: {  	_ = 	snop  }
0x1f: {  	v6 =	vsub.f32 v6, v5  }
0x20: {  	s29 =	sshra.s32 s26, $0x2  }
0x21: {  	s26 =	sadd.s32 $0x40, s26;
	v5 =	vld [tilespmem:s29+$0x15840];
	[tilespmem:s20+$0x14400] =	vst v6;
	s20 =	smov.u32 s29  }
0x22: {  	v6 =	vld [tilespmem:s20+$0x14400];
	_ =	sdelay $0x4  }
0x23: {  	v5 =	vsub.f32 v6, v5;
	_ =	sdelay $0x1  }
0x24: {  	[tilespmem:s20+$0x14400] =	vst v5  }
0x25: {  	[spmem:s6] =	stream.linear.scatter [tilespmem:s21], [sflag:$0x1], $0x1440, $0x38;
	[tilespmem:$0x1A5F0] =	vst v63  }
0x26: {  	_ =	swait.ge [sflag:s22], $0x1440  }
0x27: {  	[sflag:s22] =	ssyncset.done $0x0  }
0x28: {  	[sflag:s22] =	ssyncadd.s32 $0xFFFFEBC0  }
0x29: {  	[bflag:$0x0] =	sbarrier.arrive $0xFFFF  }
0x2a: {  	s20 =	simm.s32 $0x0;
	s26 =	rddreg [dreg:$0x1]  }
0x2b: {  	[tilespmem:s20], [sflag:$0x1] =	stream.linear.gather [spmem:s26], $0x14400, $0x38;
	[tilespmem:$0x1A5F0] =	vst v63  }
0x2c: {  	_ =	swait.ge [sflag:s22], $0x14400  }
0x2d: {  	[sflag:s22] =	ssyncset.done $0x0  }
0x2e: {  	s26 =	simm.s32 $0x16C80;
	[sflag:s22] =	ssyncadd.s32 $0xFFFEBC00  }
0x2f: {  	[tilespmem:s26], [sflag:$0x1] =	stream.linear.gather [hbm4b:s7+s20], $0x360, $0x38;
	[tilespmem:$0x1A5F0] =	vst v63  }
0x30: {  	_ =	swait.ge [sflag:s22], $0x360  }
0x31: {  	[sflag:s22] =	ssyncset.done $0x0  }
0x32: {  	s26 =	simm.s32 $0x16FE0;
	[sflag:s22] =	ssyncadd.s32 $0xFFFFFCA0  }
0x33: {  	[tilespmem:s26], [sflag:$0x1] =	stream.linear.gather [hbm4b:s8+s20], $0x360, $0x38;
	[tilespmem:$0x1A5F0] =	vst v63  }
0x34: {  	_ =	swait.ge [sflag:s22], $0x360  }
0x35: {  	[sflag:s22] =	ssyncset.done $0x0  }
0x36: {  	s26 =	simm.s32 $0x17340;
	[sflag:s22] =	ssyncadd.s32 $0xFFFFFCA0  }
0x37: {  	[tilespmem:s26], [sflag:$0x1] =	stream.linear.gather [hbm4b:s9+s20], $0x360, $0x38;
	[tilespmem:$0x1A5F0] =	vst v63  }
0x38: {  	_ =	swait.ge [sflag:s22], $0x360  }
0x39: {  	[sflag:s22] =	ssyncset.done $0x0  }
0x3a: {  	s26 =	simm.s32 $0x176A0;
	[sflag:s22] =	ssyncadd.s32 $0xFFFFFCA0  }
0x3b: {  	[tilespmem:s26], [sflag:$0x1] =	stream.linear.gather [hbm4b:s10+s20], $0x360, $0x38;
	[tilespmem:$0x1A5F0] =	vst v63  }
0x3c: {  	_ =	swait.ge [sflag:s22], $0x360  }
0x3d: {  	[sflag:s22] =	ssyncset.done $0x0  }
0x3e: {  	s26 =	simm.s32 $0x17A00;
	[sflag:s22] =	ssyncadd.s32 $0xFFFFFCA0  }
0x3f: {  	[tilespmem:s26], [sflag:$0x1] =	stream.linear.gather [hbm4b:s11+s20], $0x360, $0x38;
	[tilespmem:$0x1A5F0] =	vst v63  }
0x40: {  	_ =	swait.ge [sflag:s22], $0x360  }
0x41: {  	[sflag:s22] =	ssyncset.done $0x0  }
0x42: {  	[sflag:s22] =	ssyncadd.s32 $0xFFFFFCA0  }
0x43: {  	[tilespmem:s30], [sflag:$0x1] =	stream.linear.gather [hbm4b:s12+s20], $0x360, $0x38;
	[tilespmem:$0x1A5F0] =	vst v63  }
0x44: {  	_ =	swait.ge [sflag:s22], $0x360  }
0x45: {  	[sflag:s22] =	ssyncset.done $0x0  }
0x46: {  	[sflag:s22] =	ssyncadd.s32 $0xFFFFFCA0  }
0x47: {  	[tilespmem:s31], [sflag:$0x1] =	stream.linear.gather [hbm4b:s13+s20], $0x360, $0x38;
	[tilespmem:$0x1A5F0] =	vst v63  }
0x48: {  	_ =	swait.ge [sflag:s22], $0x360  }
0x49: {  	[sflag:s22] =	ssyncset.done $0x0  }
0x4a: {  	[sflag:s22] =	ssyncadd.s32 $0xFFFFFCA0  }
0x4b: {  	[tilespmem:s1], [sflag:$0x1] =	stream.linear.gather [hbm4b:s14+s20], $0x360, $0x38;
	[tilespmem:$0x1A5F0] =	vst v63  }
0x4c: {  	_ =	swait.ge [sflag:s22], $0x360  }
0x4d: {  	[sflag:s22] =	ssyncset.done $0x0  }
0x4e: {  	[sflag:s22] =	ssyncadd.s32 $0xFFFFFCA0  }
0x4f: {  	[tilespmem:s0], [sflag:$0x1] =	stream.linear.gather [hbm4b:s15+s20], $0x360, $0x38;
	[tilespmem:$0x1A5F0] =	vst v63  }
0x50: {  	_ =	swait.ge [sflag:s22], $0x360  }
0x51: {  	[sflag:s22] =	ssyncset.done $0x0  }
0x52: {  	[sflag:s22] =	ssyncadd.s32 $0xFFFFFCA0  }
0x53: {  	[tilespmem:s2], [sflag:$0x1] =	stream.linear.gather [hbm4b:s16+s20], $0x360, $0x38;
	[tilespmem:$0x1A5F0] =	vst v63  }
0x54: {  	_ =	swait.ge [sflag:s22], $0x360  }
0x55: {  	[sflag:s22] =	ssyncset.done $0x0  }
0x56: {  	[sflag:s22] =	ssyncadd.s32 $0xFFFFFCA0  }
0x57: {  	[tilespmem:s23], [sflag:$0x1] =	stream.linear.gather [hbm4b:s17+s20], $0x360, $0x38;
	[tilespmem:$0x1A5F0] =	vst v63  }
0x58: {  	_ =	swait.ge [sflag:s22], $0x360  }
0x59: {  	[sflag:s22] =	ssyncset.done $0x0  }
0x5a: {  	s26 =	simm.s32 $0x0;
	[sflag:s22] =	ssyncadd.s32 $0xFFFFFCA0  }
0x5b: {  	v5 =	vld [tilespmem:s26+$0x18AE0]  }
0x5c: {  	v6 =	vld [tilespmem:s26+$0x18780]  }
0x5d: {  	v7 =	vld [tilespmem:s26+$0x18420]  }
0x5e: {  	v8 =	vld [tilespmem:s26+$0x180C0]  }
0x5f: {  	v9 =	vld [tilespmem:s26+$0x17D60]  }
0x60: {  	v10 =	vld [tilespmem:s26+$0x17A00]  }
0x61: {  	v11 =	vld [tilespmem:s26+$0x176A0]  }
0x62: {  	v12 =	vld [tilespmem:s26+$0x17340]  }
0x63: {  	v13 =	vld [tilespmem:s26+$0x16FE0]  }
0x64: {  	v14 =	vld [tilespmem:s26+$0x16C80]  }
0x65: {  	v15 =	vld.idx.msk [tilespmem:v6+s3+$0x0], $0xffff  }
0x66: {  	v16 =	vld.idx.msk [tilespmem:v7+s3+$0x0], $0xffff  }
0x67: {  	v17 =	vld.idx.msk [tilespmem:v8+s3+$0x0], $0xffff  }
0x68: {  	v18 =	vld.idx.msk [tilespmem:v9+s3+$0x0], $0xffff  }
0x69: {  	v19 =	vadd.s32 $0x6C00, v14;
	v20 =	vld.idx.msk [tilespmem:v10+s3+$0x0], $0xffff  }
0x6a: {  	v21 =	vadd.s32 $0xD800, v14;
	v22 =	vld.idx.msk [tilespmem:v11+s3+$0x0], $0xffff  }
0x6b: {  	v23 =	vadd.s32 $0x6C00, v13;
	v24 =	vld.idx.msk [tilespmem:v12+s3+$0x0], $0xffff  }
0x6c: {  	v26 =	vadd.s32 $0x6C00, v12;
	v25 =	vld.idx.msk [tilespmem:v13+s3+$0x0], $0xffff  }
0x6d: {  	v13 =	vadd.s32 $0xD800, v13;
	v14 =	vld.idx.msk [tilespmem:v14+s3+$0x0], $0xffff  }
0x6e: {  	v27 =	vadd.s32 $0x6C00, v11;
	v19 =	vld.idx.msk [tilespmem:v19+s3+$0x0], $0xffff  }
0x6f: {  	v12 =	vadd.s32 $0xD800, v12;
	v21 =	vld.idx.msk [tilespmem:v21+s3+$0x0], $0xffff  }
0x70: {  	v28 =	vadd.s32 $0x6C00, v10;
	v23 =	vld.idx.msk [tilespmem:v23+s3+$0x0], $0xffff  }
0x71: {  	v11 =	vadd.s32 $0xD800, v11;
	v26 =	vld.idx.msk [tilespmem:v26+s3+$0x0], $0xffff  }
0x72: {  	v29 =	vadd.s32 $0x6C00, v9;
	v13 =	vld.idx.msk [tilespmem:v13+s3+$0x0], $0xffff  }
0x73: {  	v10 =	vadd.s32 $0xD800, v10;
	v27 =	vld.idx.msk [tilespmem:v27+s3+$0x0], $0xffff  }
0x74: {  	v30 =	vadd.s32 $0x6C00, v8;
	v12 =	vld.idx.msk [tilespmem:v12+s3+$0x0], $0xffff;
	v14 =	vadd.f32 $0.0e+00, v14;
	v19 =	vadd.f32 $0.0e+00, v19  }
0x75: {  	v9 =	vadd.s32 $0xD800, v9;
	v57 =	vld.idx.msk [tilespmem:v28+s3+$0x0], $0xffff;
	v21 =	vadd.f32 $0.0e+00, v21  }
0x76: {  	v59 =	vadd.s32 $0x6C00, v7;
	v11 =	vld.idx.msk [tilespmem:v11+s3+$0x0], $0xffff;
	v14 =	vadd.f32 v25, v14;
	v19 =	vadd.f32 v23, v19  }
0x77: {  	v58 =	vor.u32 s28, v0;
	v8 =	vadd.s32 $0xD800, v8;
	v60 =	vld.idx.msk [tilespmem:v29+s3+$0x0], $0xffff;
	v13 =	vadd.f32 v13, v21  }
0x78: {  	v7 =	vadd.s32 $0xD800, v7;
	v10 =	vld.idx.msk [tilespmem:v10+s3+$0x0], $0xffff;
	v14 =	vadd.f32 v24, v14;
	v19 =	vadd.f32 v26, v19  }
0x79: {  	v61 =	vadd.s32 s28, v3;
	v62 =	vld.idx.msk [tilespmem:v30+s3+$0x0], $0xffff;
	v25 =	vand.u32 v2, v58;
	v12 =	vadd.f32 v12, v13  }
0x7a: {  	v9 =	vld.idx.msk [tilespmem:v9+s3+$0x0], $0xffff;
	v14 =	vadd.f32 v22, v14;
	v13 =	vadd.s32 $0x6C00, v6;
	v19 =	vadd.f32 v27, v19  }
0x7b: {  	(erf) = vrcp.f32 v5;
	v63 =	vld.idx.msk [tilespmem:v59+s3+$0x0], $0xffff;
	v6 =	vadd.s32 $0xD800, v6;
	v11 =	vadd.f32 v11, v12  }
0x7c: {  	v8 =	vld.idx.msk [tilespmem:v8+s3+$0x0], $0xffff;
	v14 =	vadd.f32 v20, v14;
	v12 =	vand.u32 $0x7FFFFFF8, v61;
	v19 =	vadd.f32 v57, v19  }
0x7d: {  	v5 =	vadd.f32 v10, v11;
	v10 =	vld.idx.msk [tilespmem:v7+s3+$0x0], $0xffff;
	v11 =	vor.u32 v1, v12  }
0x7e: {  	v7 =	vadd.s32 s28, v4;
	v12 =	vadd.f32 v18, v14;
	v18 =	vld.idx.msk [tilespmem:v25+s3+$0x0], $0xffff;
	v14 =	vadd.f32 v60, v19  }
0x7f: {  	v13 =	vld.idx.msk [tilespmem:v13+s3+$0x0], $0xffff;
	v7 =	vand.u32 $0x7FFFFFF8, v7;
	v5 =	vadd.f32 v9, v5  }
0x80: {  	v9 =	vor.u32 v1, v7;
	v7 =	vld [tilespmem:s26+$0x18E40];
	v12 =	vadd.f32 v17, v12;
	v14 =	vadd.f32 v62, v14  }
0x81: {  	v17 =	vld.idx.msk [tilespmem:v6+s3+$0x0], $0xffff;
	s26 =	simm.s32 $0x10;
	v5 =	vadd.f32 v8, v5  }
0x82: {  	v6 =	vld [tilespmem:s26+$0x18AE0];
	v8 =	vadd.f32 v16, v12;
	v12 =	vadd.f32 v63, v14  }
0x83: {  	v14 =	vld.idx.msk [tilespmem:v11+s3+$0x0], $0xffff;
	v5 =	vadd.f32 v10, v5  }
0x84: {  	v10 =	vadd.f32 v15, v8;
	v8 =	vld [tilespmem:s26+$0x18780];
	v11 =	vadd.f32 v13, v12  }
0x85: {  	v12 =	vld.idx.msk [tilespmem:v9+s3+$0x0], $0xffff;
	v13 =	vpop (erf)  }
0x86: {  	v9 =	vld [tilespmem:s26+$0x18420];
	v5 =	vadd.f32 v17, v5;
	v15 =	vmul.f32 v13, v10;
	v16 =	vmul.f32 v13, v11  }
0x87: {  	v10 =	vld [tilespmem:s26+$0x180C0]  }
0x88: {  	v11 =	vld [tilespmem:s26+$0x17D60];
	v17 =	vsub.f32 v18, v15;
	v5 =	vmul.f32 v13, v5;
	v16 =	vsub.f32 v14, v16  }
0x89: {  	v15 =	vld [tilespmem:s26+$0x176A0]  }
0x8a: {  	v14 =	vld [tilespmem:s26+$0x17A00];
	v13 =	vsub.f32 v12, v5;
	v12 =	vmul.f32 v17, v17;
	v18 =	vmul.f32 v16, v16  }
0x8b: {  	v17 =	vld [tilespmem:s26+$0x16FE0]  }
0x8c: {  	s29 =	simm.s32 $0x80;
	s20 =	smov.u32 s28;
	v5 =	vimm.f32 $0.0e+00;
	v16 =	vld [tilespmem:s26+$0x17340];
	v13 =	vmul.f32 v13, v13;
	v12 =	vadd.f32 v18, v12  }
.LBB2_4:
0x8d: {  	p0 =	sne.s32 s29, $0xD40;
	v18 =	vld [tilespmem:s26+$0x16C80]  }
0x8e: {  	v19 =	vld.idx.msk [tilespmem:v8+s3+$0x0], $0xffff;
	v12 =	vadd.f32 v12, v13  }
0x8f: {  	v13 =	vld.idx.msk [tilespmem:v9+s3+$0x0], $0xffff  }
0x90: {  	v20 =	vld.idx.msk [tilespmem:v10+s3+$0x0], $0xffff;
	v7 =	vmul.f32 v12, v7  }
0x91: {  	v12 =	vld.idx.msk [tilespmem:v11+s3+$0x0], $0xffff  }
0x92: {  	v21 =	vadd.s32 $0x6C00, v18;
	v22 =	vld.idx.msk [tilespmem:v14+s3+$0x0], $0xffff;
	v5 =	vadd.f32 v7, v5  }
0x93: {  	v7 =	vadd.s32 $0xD800, v18;
	v23 =	vld.idx.msk [tilespmem:v15+s3+$0x0], $0xffff  }
0x94: {  	v24 =	vadd.s32 $0x6C00, v17;
	v25 =	vld.idx.msk [tilespmem:v16+s3+$0x0], $0xffff  }
0x95: {  	v26 =	vld.idx.msk [tilespmem:v17+s3+$0x0], $0xffff;
	v17 =	vadd.s32 $0xD800, v17  }
0x96: {  	v27 =	vadd.s32 $0x6C00, v16;
	v18 =	vld.idx.msk [tilespmem:v18+s3+$0x0], $0xffff  }
0x97: {  	v16 =	vadd.s32 $0xD800, v16;
	v21 =	vld.idx.msk [tilespmem:v21+s3+$0x0], $0xffff  }
0x98: {  	v28 =	vadd.s32 $0x6C00, v15;
	v7 =	vld.idx.msk [tilespmem:v7+s3+$0x0], $0xffff  }
0x99: {  	v15 =	vadd.s32 $0xD800, v15;
	v24 =	vld.idx.msk [tilespmem:v24+s3+$0x0], $0xffff  }
0x9a: {  	v29 =	vadd.s32 $0x6C00, v14;
	v17 =	vld.idx.msk [tilespmem:v17+s3+$0x0], $0xffff  }
0x9b: {  	v14 =	vadd.s32 $0xD800, v14;
	v27 =	vld.idx.msk [tilespmem:v27+s3+$0x0], $0xffff  }
0x9c: {  	v30 =	vadd.s32 $0x6C00, v11;
	v16 =	vld.idx.msk [tilespmem:v16+s3+$0x0], $0xffff  }
0x9d: {  	v11 =	vadd.s32 $0xD800, v11;
	v18 =	vadd.f32 $0.0e+00, v18;
	v21 =	vadd.f32 $0.0e+00, v21;
	v28 =	vld.idx.msk [tilespmem:v28+s3+$0x0], $0xffff  }
0x9e: {  	v31 =	vadd.s32 $0x6C00, v10;
	v7 =	vadd.f32 $0.0e+00, v7;
	v15 =	vld.idx.msk [tilespmem:v15+s3+$0x0], $0xffff  }
0x9f: {  	s20 =	sadd.s32 $0x10, s20;
	v10 =	vadd.s32 $0xD800, v10;
	v18 =	vadd.f32 v26, v18;
	v21 =	vadd.f32 v24, v21;
	v24 =	vld.idx.msk [tilespmem:v29+s3+$0x0], $0xffff  }
0xa0: {  	v26 =	vor.u32 s20, v0;
	v7 =	vadd.f32 v17, v7;
	v17 =	vadd.s32 $0x6C00, v9;
	v14 =	vld.idx.msk [tilespmem:v14+s3+$0x0], $0xffff  }
0xa1: {  	v18 =	vadd.f32 v25, v18;
	v9 =	vadd.s32 $0xD800, v9;
	v21 =	vadd.f32 v27, v21;
	v25 =	vld.idx.msk [tilespmem:v30+s3+$0x0], $0xffff  }
0xa2: {  	v27 =	vadd.s32 s20, v3;
	v7 =	vadd.f32 v16, v7;
	v16 =	vadd.s32 $0x6C00, v8;
	v11 =	vld.idx.msk [tilespmem:v11+s3+$0x0], $0xffff  }
0xa3: {  	v26 =	vand.u32 v2, v26;
	v18 =	vadd.f32 v23, v18;
	v21 =	vadd.f32 v28, v21;
	v23 =	vld.idx.msk [tilespmem:v31+s3+$0x0], $0xffff  }
0xa4: {  	v8 =	vadd.s32 $0xD800, v8;
	v7 =	vadd.f32 v15, v7;
	v15 =	vand.u32 $0x7FFFFFF8, v27;
	v10 =	vld.idx.msk [tilespmem:v10+s3+$0x0], $0xffff  }
0xa5: {  	v18 =	vadd.f32 v22, v18;
	v21 =	vadd.f32 v24, v21;
	v17 =	vld.idx.msk [tilespmem:v17+s3+$0x0], $0xffff;
	(erf) = vrcp.f32 v6  }
0xa6: {  	v6 =	vadd.f32 v14, v7;
	v14 =	vor.u32 v1, v15;
	v7 =	vadd.s32 s20, v4;
	v9 =	vld.idx.msk [tilespmem:v9+s3+$0x0], $0xffff  }
0xa7: {  	v12 =	vadd.f32 v12, v18;
	v15 =	vadd.f32 v25, v21;
	v7 =	vand.u32 $0x7FFFFFF8, v7;
	v16 =	vld.idx.msk [tilespmem:v16+s3+$0x0], $0xffff  }
0xa8: {  	v6 =	vadd.f32 v11, v6;
	v11 =	vor.u32 v1, v7;
	v7 =	vld [tilespmem:s26+$0x18E40]  }
0xa9: {  	v12 =	vadd.f32 v20, v12;
	v15 =	vadd.f32 v23, v15;
	v18 =	vld.idx.msk [tilespmem:v8+s3+$0x0], $0xffff  }
0xaa: {  	v8 =	vadd.f32 v10, v6;
	v20 =	vld.idx.msk [tilespmem:v26+s3+$0x0], $0xffff  }
0xab: {  	s26 =	sshra.s32 s29, $0x2;
	v10 =	vadd.f32 v13, v12;
	v12 =	vadd.f32 v17, v15;
	v13 =	vld.idx.msk [tilespmem:v14+s3+$0x0], $0xffff  }
0xac: {  	v14 =	vadd.f32 v9, v8;
	v6 =	vld [tilespmem:s26+$0x18AE0]  }
0xad: {  	v10 =	vadd.f32 v19, v10;
	v12 =	vadd.f32 v16, v12;
	v16 =	vld.idx.msk [tilespmem:v11+s3+$0x0], $0xffff  }
0xae: {  	v8 =	vld [tilespmem:s26+$0x18780];
	v15 =	vpop (erf)  }
0xaf: {  	v14 =	vadd.f32 v18, v14;
	v9 =	vld [tilespmem:s26+$0x18420];
	v17 =	vmul.f32 v15, v10;
	v12 =	vmul.f32 v15, v12  }
0xb0: {  	v10 =	vld [tilespmem:s26+$0x180C0]  }
.Ltmp1:
0xb1: {  	v11 =	vld [tilespmem:s26+$0x17D60];
	v17 =	vsub.f32 v20, v17;
	v12 =	vsub.f32 v13, v12;
	v13 =	vmul.f32 v15, v14;
	(pc) =	sbr.rel @p0 .LBB2_4-.Ltmp1, $4  }
0xb2: {  	v14 =	vld [tilespmem:s26+$0x17A00]  }
0xb3: {  	v15 =	vld [tilespmem:s26+$0x176A0];
	v13 =	vsub.f32 v16, v13;
	v18 =	vmul.f32 v17, v17;
	v12 =	vmul.f32 v12, v12  }
0xb4: {  	v16 =	vld [tilespmem:s26+$0x17340]  }
0xb5: {  	s29 =	sadd.s32 $0x40, s29;
	v17 =	vld [tilespmem:s26+$0x16FE0];
	v12 =	vadd.f32 v12, v18;
	v13 =	vmul.f32 v13, v13  }
0xb6: {  	_ =	sdelay $0x2  }
0xb7: {  	v18 =	vld [tilespmem:s26+$0x16C80]  }
0xb8: {  	v19 =	vld.idx.msk [tilespmem:v8+s3+$0x0], $0xffff  }
0xb9: {  	v20 =	vld.idx.msk [tilespmem:v9+s3+$0x0], $0xffff  }
0xba: {  	v21 =	vld.idx.msk [tilespmem:v10+s3+$0x0], $0xffff  }
0xbb: {  	v22 =	vld.idx.msk [tilespmem:v11+s3+$0x0], $0xffff  }
0xbc: {  	v24 =	vld.idx.msk [tilespmem:v14+s3+$0x0], $0xffff;
	v23 =	vadd.s32 $0x6C00, v18  }
0xbd: {  	v26 =	vld.idx.msk [tilespmem:v15+s3+$0x0], $0xffff;
	v25 =	vadd.s32 $0xD800, v18  }
0xbe: {  	v28 =	vld.idx.msk [tilespmem:v16+s3+$0x0], $0xffff;
	v27 =	vadd.s32 $0x6C00, v17  }
0xbf: {  	v29 =	vld.idx.msk [tilespmem:v17+s3+$0x0], $0xffff;
	v60 =	vadd.s32 $0xD800, v17  }
0xc0: {  	v30 =	vadd.s32 $0x6C00, v16;
	v18 =	vld.idx.msk [tilespmem:v18+s3+$0x0], $0xffff  }
0xc1: {  	v61 =	vadd.s32 $0xD800, v16;
	v23 =	vld.idx.msk [tilespmem:v23+s3+$0x0], $0xffff  }
0xc2: {  	v31 =	vadd.s32 $0x6C00, v15;
	v25 =	vld.idx.msk [tilespmem:v25+s3+$0x0], $0xffff  }
0xc3: {  	v62 =	vadd.s32 $0xD800, v15;
	v27 =	vld.idx.msk [tilespmem:v27+s3+$0x0], $0xffff  }
0xc4: {  	v32 =	vadd.s32 $0x6C00, v14;
	v17 =	vld.idx.msk [tilespmem:v60+s3+$0x0], $0xffff  }
0xc5: {  	v63 =	vadd.s32 $0xD800, v14;
	v30 =	vld.idx.msk [tilespmem:v30+s3+$0x0], $0xffff  }
0xc6: {  	v33 =	vadd.s32 $0x6C00, v11;
	v16 =	vld.idx.msk [tilespmem:v61+s3+$0x0], $0xffff;
	v18 =	vadd.f32 $0.0e+00, v18;
	v23 =	vadd.f32 $0.0e+00, v23  }
0xc7: {  	v35 =	vadd.s32 $0xD800, v11;
	v34 =	vld.idx.msk [tilespmem:v31+s3+$0x0], $0xffff;
	v25 =	vadd.f32 $0.0e+00, v25  }
0xc8: {  	v36 =	vadd.s32 $0x6C00, v10;
	v15 =	vld.idx.msk [tilespmem:v62+s3+$0x0], $0xffff;
	v18 =	vadd.f32 v29, v18;
	v23 =	vadd.f32 v27, v23  }
0xc9: {  	v38 =	vadd.s32 $0xD800, v10;
	v40 =	vadd.s32 $0x6C00, v9;
	v37 =	vld.idx.msk [tilespmem:v32+s3+$0x0], $0xffff;
	v17 =	vadd.f32 v17, v25  }
0xca: {  	v42 =	vadd.s32 $0xD800, v9;
	v14 =	vld.idx.msk [tilespmem:v63+s3+$0x0], $0xffff;
	v18 =	vadd.f32 v28, v18;
	v23 =	vadd.f32 v30, v23  }
0xcb: {  	v43 =	vadd.s32 $0x6C00, v8;
	v45 =	vadd.s32 $0xD800, v8;
	v41 =	vld.idx.msk [tilespmem:v33+s3+$0x0], $0xffff;
	v16 =	vadd.f32 v16, v17  }
0xcc: {  	s20 =	sadd.s32 $0x10, s20;
	(erf) = vrcp.f32 v6;
	v11 =	vld.idx.msk [tilespmem:v35+s3+$0x0], $0xffff;
	v18 =	vadd.f32 v26, v18;
	v23 =	vadd.f32 v34, v23  }
0xcd: {  	v39 =	vor.u32 s20, v0;
	v44 =	vadd.s32 s20, v3;
	v27 =	vld.idx.msk [tilespmem:v36+s3+$0x0], $0xffff;
	v15 =	vadd.f32 v15, v16  }
0xce: {  	v49 =	vadd.s32 s20, v4;
	v10 =	vld.idx.msk [tilespmem:v38+s3+$0x0], $0xffff;
	v18 =	vadd.f32 v24, v18;
	v23 =	vadd.f32 v37, v23  }
0xcf: {  	v46 =	vand.u32 $0x7FFFFFF8, v44;
	v6 =	vand.u32 v2, v39;
	v47 =	vld.idx.msk [tilespmem:v40+s3+$0x0], $0xffff;
	v14 =	vadd.f32 v14, v15  }
0xd0: {  	v48 =	vor.u32 v1, v46;
	v9 =	vld.idx.msk [tilespmem:v42+s3+$0x0], $0xffff;
	v18 =	vadd.f32 v22, v18;
	v50 =	vadd.f32 v41, v23  }
0xd1: {  	v17 =	vld.idx.msk [tilespmem:v43+s3+$0x0], $0xffff;
	v16 =	vand.u32 $0x7FFFFFF8, v49;
	v11 =	vadd.f32 v11, v14  }
0xd2: {  	v51 =	vor.u32 v1, v16;
	v52 =	vadd.f32 v21, v18;
	v53 =	vadd.f32 v27, v50  }
0xd3: {  	v8 =	vld.idx.msk [tilespmem:v45+s3+$0x0], $0xffff;
	v10 =	vadd.f32 v10, v11  }
0xd4: {  	v6 =	vld.idx.msk [tilespmem:v6+s3+$0x0], $0xffff;
	v54 =	vadd.f32 v20, v52;
	v55 =	vadd.f32 v47, v53  }
0xd5: {  	v15 =	vld.idx.msk [tilespmem:v48+s3+$0x0], $0xffff;
	v9 =	vadd.f32 v9, v10  }
0xd6: {  	v56 =	vadd.f32 v19, v54;
	v57 =	vadd.f32 v17, v55  }
0xd7: {  	v58 =	vpop (erf);
	v14 =	vld.idx.msk [tilespmem:v51+s3+$0x0], $0xffff  }
0xd8: {  	v8 =	vadd.f32 v8, v9;
	v59 =	vmul.f32 v58, v56;
	v60 =	vmul.f32 v58, v57;
	_ =	sdelay $0x1  }
0xd9: {  	v6 =	vsub.f32 v6, v59;
	v8 =	vmul.f32 v58, v8;
	v61 =	vsub.f32 v15, v60;
	_ =	sdelay $0x1  }
0xda: {  	v8 =	vsub.f32 v14, v8;
	v6 =	vmul.f32 v6, v6;
	v9 =	vmul.f32 v61, v61  }
0xdb: {  	v62 =	vld [tilespmem:s26+$0x18E40]  }
0xdc: {  	v63 =	vadd.f32 v12, v13;
	v8 =	vmul.f32 v8, v8;
	v6 =	vadd.f32 v9, v6;
	_ =	sdelay $0x1  }
0xdd: {  	v7 =	vmul.f32 v63, v7;
	v6 =	vadd.f32 v6, v8;
	_ =	sdelay $0x1  }
0xde: {  	v5 =	vadd.f32 v7, v5;
	v6 =	vmul.f32 v6, v62;
	_ =	sdelay $0x1  }
0xdf: {  	s25 =	sadd.s32 $0x1, s25;
	v5 =	vadd.f32 v6, v5  }
0xe0: {  	p0 =	sne.s32 s25, s19  }
.Ltmp2:
0xe1: {  	[tilespmem:$0x191A0] =	vst v5;
	(pc) =	sbr.rel @p0 .LBB2_1-.Ltmp2, $4  }
0xe2: {  	[hbm4b:s18+s3] =	stream.linear.scatter [tilespmem:s24], [sflag:$0x1], $0x10, $0x38;
	[tilespmem:$0x1A5F0] =	vst v63  }
0xe3: {  	_ =	swait.ge [sflag:s22], $0x10  }
0xe4: {  	[sflag:s22] =	ssyncset.done $0x0  }
0xe5: {  	[sflag:s22] =	ssyncadd.s32 $0xFFFFFFF0  }
0xe6: {  	_ =	sfence.sel $0x180000  }
0xe7: {  	[bflag:$0x0] =	sbarrier.arrive $0xFFFF  }
0xe8: {  	_ =	strace $0x90000047  }
0xe9: {  	s0 =	stileid.u32;
	[bflag:$0x2] =	sbarrier.arrive $0xFFFF  }
0xea: {  	p0 =	sne.s32 s0, $0x0;
	s0 =	rddreg [dreg:$0x2]  }
0xeb: {  	s0 =	sadd.s32 @!p0 $0x100000, s0  }
0xec: {  	[sflag:s0] =	ssyncadd.tile.s32 @!p0 $0x1;
	_ =	shalt  }
.Lfunc_end2:
_tile_overlayer_lowered:
.L_overlay_start_2:
0xed: {  	(tag) =	ssettag $0x2  }
0xee: {  	s0 =	rddreg [dreg:$0x0];
	s2 =	stileid.u32  }
0xef: {  	s1 =	rddreg [dreg:$0x1];
	p0 =	sne.s32 s2, $0x0  }
0xf0: {  	s3 =	rddreg [dreg:$0x2];
	[bflag:$0x3] =	sbarrier.arrive $0xFFFF;
	s2 =	simm.s32 @!p0 $0x1C01  }
0xf1: {  	[timem:s3], [sflag:s2] =	dma.local @!p0 [hbm:s0], s1  }
0xf2: {  	s0 =	simm.s32 @!p0 $0x1  }
0xf3: {  	_ =	swait.ge @!p0 [sflag:s0], s1  }
0xf4: {  	s1 =	ssub.s32 @!p0 $0x0, s1;
	[sflag:s0] =	ssyncset.done @!p0 $0x0  }
0xf5: {  	[sflag:s0] =	ssyncadd.s32 @!p0 s1  }
0xf6: {  	[bflag:$0x3] =	sbarrier.arrive $0xFFFF  }
0xf7: {  	_ =	shalt  }

</sc_bundles>
